<compile_context>
chip_gen: v7x
topology: tpu7x:2x2x1
jax: 0.10.2.dev20260603
libtpu: 0.0.44.dev20260713+nightly
codegen_flags: <defaults>
</compile_context>

<pallas_src>
import jax
import jax.numpy as jnp
from jax import lax
from jax.experimental import pallas as pl
from jax.experimental.pallas import tpu as pltpu
from jax.experimental.pallas import tpu_sc as plsc

N = 10000
D = 128
H = 16
E = 160000

NC = 2
NS = 16
NW = NC * NS
CH = 128
NCHUNKS = E // CH
BASE_CHUNKS = NCHUNKS // NW
HP = 32
NPAD = 10240
ROWS_PER_TILE = NPAD // NS
KCH = ROWS_PER_TILE // CH


def _dense_pre_body(ns_ref, w_ref, b_ref, p0_ref, p1_ref, s_ref):
    res = jnp.dot(ns_ref[...], w_ref[...], preferred_element_type=jnp.float32)
    p0_ref[...] = res[:, :D]
    p1_ref[...] = res[:, D:2 * D]
    s_ref[...] = res[:, 2 * D:] + b_ref[...]


def _dense_pre(ns, wcat, b):
    blk = 1000
    return pl.pallas_call(
        _dense_pre_body,
        grid=(N // blk,),
        in_specs=[
            pl.BlockSpec((blk, D), lambda i: (i, 0)),
            pl.BlockSpec((D, 3 * D), lambda i: (0, 0)),
            pl.BlockSpec((1, D), lambda i: (0, 0)),
        ],
        out_specs=[
            pl.BlockSpec((blk, D), lambda i: (i, 0)),
            pl.BlockSpec((blk, D), lambda i: (i, 0)),
            pl.BlockSpec((blk, D), lambda i: (i, 0)),
        ],
        out_shape=[
            jax.ShapeDtypeStruct((N, D), jnp.float32),
            jax.ShapeDtypeStruct((N, D), jnp.float32),
            jax.ShapeDtypeStruct((N, D), jnp.float32),
        ],
    )(ns, wcat, b)


def _p_body(p0, p1, src0, dst0, src1, dst1, zp,
            out_p,
            src_v, dst_v, rows_v, src_w, dst_w, rows_w, acc_p, sem, sem2):
    cid = lax.axis_index("c")
    sid = lax.axis_index("s")
    wid = sid * NC + cid
    row0 = sid * ROWS_PER_TILE

    pltpu.sync_copy(zp, rows_v)
    for k in range(KCH):
        pltpu.sync_copy(rows_v, acc_p.at[pl.ds(row0 + k * CH, CH), :])
    plsc.subcore_barrier()

    def make_body(p, src, dst):
        def body(r, carry):
            ca = (2 * r) * NW + wid
            cb = (2 * r + 1) * NW + wid

            @pl.when(ca < NCHUNKS)
            def _():
                base = ca * CH
                pltpu.sync_copy(src.at[pl.ds(base, CH)], src_v)
                pltpu.sync_copy(dst.at[pl.ds(base, CH)], dst_v)
                ga = pltpu.async_copy(p.at[src_v], rows_v, sem)

                @pl.when(cb < NCHUNKS)
                def _():
                    base_b = cb * CH
                    pltpu.sync_copy(src.at[pl.ds(base_b, CH)], src_w)
                    pltpu.sync_copy(dst.at[pl.ds(base_b, CH)], dst_w)
                    gb = pltpu.async_copy(p.at[src_w], rows_w, sem2)
                    ga.wait()
                    pltpu.sync_copy(rows_v, acc_p.at[dst_v], add=True)
                    gb.wait()
                    pltpu.sync_copy(rows_w, acc_p.at[dst_w], add=True)

                @pl.when(cb >= NCHUNKS)
                def _():
                    ga.wait()
                    pltpu.sync_copy(rows_v, acc_p.at[dst_v], add=True)

            return carry
        return body

    lax.fori_loop(0, (BASE_CHUNKS + 2) // 2, make_body(p0, src0, dst0), 0)
    lax.fori_loop(0, (BASE_CHUNKS + 2) // 2, make_body(p1, src1, dst1), 0)
    plsc.subcore_barrier()

    orow = cid * NPAD + row0
    for k in range(KCH):
        pltpu.sync_copy(acc_p.at[pl.ds(row0 + k * CH, CH), :], rows_v)
        pltpu.sync_copy(rows_v, out_p.at[pl.ds(orow + k * CH, CH), :])


def _p_pass(p0, p1, src0, dst0, src1, dst1, zp):
    mesh = plsc.VectorSubcoreMesh(core_axis_name="c", subcore_axis_name="s",
                                  num_cores=NC, num_subcores=NS)
    out = pl.kernel(
        _p_body,
        out_type=jax.ShapeDtypeStruct((NC * NPAD, D), jnp.float32),
        mesh=mesh,
        scratch_types=[
            pltpu.VMEM((CH,), jnp.int32),
            pltpu.VMEM((CH,), jnp.int32),
            pltpu.VMEM((CH, D), jnp.float32),
            pltpu.VMEM((CH,), jnp.int32),
            pltpu.VMEM((CH,), jnp.int32),
            pltpu.VMEM((CH, D), jnp.float32),
            pltpu.VMEM_SHARED((NPAD, D), jnp.float32),
            pltpu.SemaphoreType.DMA,
            pltpu.SemaphoreType.DMA,
        ],
    )(p0, p1, src0, dst0, src1, dst1, zp)
    return out.reshape(NC, NPAD, D)


def _f_body(ef0, dst0, ef1, dst1, zp,
            out_f,
            dst_v, fbuf, dst_w, fbuf2, acc_f, sem, sem2):
    cid = lax.axis_index("c")
    sid = lax.axis_index("s")
    wid = sid * NC + cid
    row0 = sid * ROWS_PER_TILE

    pltpu.sync_copy(zp, fbuf)
    for k in range(KCH):
        pltpu.sync_copy(fbuf, acc_f.at[pl.ds(row0 + k * CH, CH), :])
    plsc.subcore_barrier()

    def make_body(ef, dst):
        def body(r, carry):
            ca = (2 * r) * NW + wid
            cb = (2 * r + 1) * NW + wid

            @pl.when(ca < NCHUNKS)
            def _():
                base = ca * CH
                pltpu.sync_copy(dst.at[pl.ds(base, CH)], dst_v)
                ga = pltpu.async_copy(ef.at[pl.ds(base, CH), :], fbuf, sem)

                @pl.when(cb < NCHUNKS)
                def _():
                    base_b = cb * CH
                    pltpu.sync_copy(dst.at[pl.ds(base_b, CH)], dst_w)
                    gb = pltpu.async_copy(ef.at[pl.ds(base_b, CH), :], fbuf2, sem2)
                    ga.wait()
                    pltpu.sync_copy(fbuf, acc_f.at[dst_v], add=True)
                    gb.wait()
                    pltpu.sync_copy(fbuf2, acc_f.at[dst_w], add=True)

                @pl.when(cb >= NCHUNKS)
                def _():
                    ga.wait()
                    pltpu.sync_copy(fbuf, acc_f.at[dst_v], add=True)

            return carry
        return body

    lax.fori_loop(0, (BASE_CHUNKS + 2) // 2, make_body(ef0, dst0), 0)
    lax.fori_loop(0, (BASE_CHUNKS + 2) // 2, make_body(ef1, dst1), 0)
    plsc.subcore_barrier()

    orow = cid * NPAD + row0
    for k in range(KCH):
        pltpu.sync_copy(acc_f.at[pl.ds(row0 + k * CH, CH), :], fbuf)
        pltpu.sync_copy(fbuf, out_f.at[pl.ds(orow + k * CH, CH), :])


def _f_pass(ef0, dst0, ef1, dst1, zp):
    mesh = plsc.VectorSubcoreMesh(core_axis_name="c", subcore_axis_name="s",
                                  num_cores=NC, num_subcores=NS)
    out_f = pl.kernel(
        _f_body,
        out_type=jax.ShapeDtypeStruct((NC * NPAD, D), jnp.float32),
        mesh=mesh,
        scratch_types=[
            pltpu.VMEM((CH,), jnp.int32),
            pltpu.VMEM((CH, D), jnp.float32),
            pltpu.VMEM((CH,), jnp.int32),
            pltpu.VMEM((CH, D), jnp.float32),
            pltpu.VMEM_SHARED((NPAD, D), jnp.float32),
            pltpu.SemaphoreType.DMA,
            pltpu.SemaphoreType.DMA,
        ],
    )(ef0, dst0, ef1, dst1, zp)
    return out_f.reshape(NC, NPAD, D)


def _final_body(s_ref, pp_ref, ff_ref, wf_ref, out_ref):
    acc = s_ref[...] + pp_ref[0] + pp_ref[1]
    acc = acc + jnp.dot(ff_ref[0] + ff_ref[1], wf_ref[...],
                        preferred_element_type=jnp.float32)
    out_ref[...] = jnp.maximum(acc, 0.0)


def _final(s, pp, ff, wf):
    blk = 1000
    return pl.pallas_call(
        _final_body,
        grid=(N // blk,),
        in_specs=[
            pl.BlockSpec((blk, D), lambda i: (i, 0)),
            pl.BlockSpec((NC, blk, D), lambda i: (0, i, 0)),
            pl.BlockSpec((NC, blk, D), lambda i: (0, i, 0)),
            pl.BlockSpec((D, D), lambda i: (0, 0)),
        ],
        out_specs=pl.BlockSpec((blk, D), lambda i: (i, 0)),
        out_shape=jax.ShapeDtypeStruct((N, D), jnp.float32),
    )(s, pp, ff, wf)


def kernel(node_states, edge_src_0, edge_dst_0, edge_src_1, edge_dst_1,
           node_to_graph_idx, ref_root_ids, ref_root_graph_idx,
           edge_feat_0, edge_feat_1, W0, W1, W_self, b):
    ns = node_states.astype(jnp.float32)
    wcat = jnp.concatenate([W0[:D], W1[:D], W_self], axis=1)
    p0, p1, s = _dense_pre(ns, wcat, b.reshape(1, D))

    src0 = edge_src_0.astype(jnp.int32)
    dst0 = edge_dst_0.astype(jnp.int32)
    src1 = edge_src_1.astype(jnp.int32)
    dst1 = edge_dst_1.astype(jnp.int32)
    ef0p = jnp.pad(edge_feat_0.astype(jnp.float32), ((0, 0), (0, D - H)))
    ef1p = jnp.pad(edge_feat_1.astype(jnp.float32), ((0, 0), (H, D - 2 * H)))
    wf = jnp.concatenate([W0[D:], W1[D:], jnp.zeros((D - 2 * H, D), jnp.float32)])
    zp = jnp.zeros((CH, D), jnp.float32)

    pp = _p_pass(p0, p1, src0, dst0, src1, dst1, zp)
    ff = _f_pass(ef0p, dst0, ef1p, dst1, zp)

    return _final(s, pp, ff, wf)

# --- scband reference (transcript-rebuilt; emitter-appended) ---
"""Pipeline reference for scband-abstract-message-passing-layer-32796370272856 (READ-ONLY COPY).

The authoritative reference and input builder live on the scoring server;
editing this copy changes nothing except your own understanding.
"""

import jax, jax.numpy as jnp
import numpy as np

N = 10000
D = 128
H = 16
E = 160000
G = 64

def setup_inputs(seed: int = 0) -> dict:
    key = jax.random.key(seed)
    ks = jax.random.split(key, 14)
    node_states = jax.random.normal(ks[0], (N, D), dtype=jnp.float32)
    edge_src_0 = jax.random.randint(ks[1], (E,), 0, N)
    edge_dst_0 = jax.random.randint(ks[2], (E,), 0, N)
    edge_src_1 = jax.random.randint(ks[3], (E,), 0, N)
    edge_dst_1 = jax.random.randint(ks[4], (E,), 0, N)
    node_to_graph_idx = jnp.sort(jax.random.randint(ks[5], (N,), 0, G))
    ref_root_ids = jax.random.randint(ks[6], (G,), 0, N)
    ref_root_graph_idx = jnp.arange(G)
    edge_feat_0 = jax.random.normal(ks[7], (E, H), dtype=jnp.float32)
    edge_feat_1 = jax.random.normal(ks[8], (E, H), dtype=jnp.float32)
    W0 = jax.random.normal(ks[9], (D + H, D), dtype=jnp.float32) * 0.05
    W1 = jax.random.normal(ks[10], (D + H, D), dtype=jnp.float32) * 0.05
    W_self = jax.random.normal(ks[11], (D, D), dtype=jnp.float32) * 0.05
    b = jnp.zeros((D,), dtype=jnp.float32)
    return {"node_states": node_states, "edge_src_0": edge_src_0, "edge_dst_0": edge_dst_0,
            "edge_src_1": edge_src_1, "edge_dst_1": edge_dst_1,
            "node_to_graph_idx": node_to_graph_idx, "ref_root_ids": ref_root_ids,
            "ref_root_graph_idx": ref_root_graph_idx,
            "edge_feat_0": edge_feat_0, "edge_feat_1": edge_feat_1,
            "W0": W0, "W1": W1, "W_self": W_self, "b": b}

def reference(node_states, edge_src_0, edge_dst_0, edge_src_1, edge_dst_1,
              node_to_graph_idx, ref_root_ids, ref_root_graph_idx,
              edge_feat_0, edge_feat_1, W0, W1, W_self, b):
    num_nodes = node_states.shape[0]
    # self-update
    out = node_states @ W_self + b
    # edge type 0: gather source states, concat edge features, linear, scatter-sum to dst
    src_states_0 = jnp.take(node_states, edge_src_0, axis=0)
    msg_0 = jnp.concatenate([src_states_0, edge_feat_0], axis=1) @ W0
    agg_0 = jax.ops.segment_sum(msg_0.astype(jnp.float32), edge_dst_0, num_segments=num_nodes)
    # edge type 1
    src_states_1 = jnp.take(node_states, edge_src_1, axis=0)
    msg_1 = jnp.concatenate([src_states_1, edge_feat_1], axis=1) @ W1
    agg_1 = jax.ops.segment_sum(msg_1.astype(jnp.float32), edge_dst_1, num_segments=num_nodes)
    out = out + agg_0 + agg_1
    return jax.nn.relu(out)

if __name__ == "__main__":
    import jax
    _d = setup_inputs()
    print(jax.jit(kernel)(*tuple(_d.values())))

</pallas_src>

<mosaic_0001>
#map = affine_map<(d0, d1) -> (0, 0)>
#map1 = affine_map<(d0, d1) -> (0)>
module attributes {stable_mosaic.version = 14 : i64} {
  func.func @_p_body(%arg0: i32, %arg1: i32, %arg2: memref<10000x128xf32, #tpu.memory_space<hbm>>, %arg3: memref<10000x128xf32, #tpu.memory_space<hbm>>, %arg4: memref<160000xi32, #tpu.memory_space<hbm>>, %arg5: memref<160000xi32, #tpu.memory_space<hbm>>, %arg6: memref<160000xi32, #tpu.memory_space<hbm>>, %arg7: memref<160000xi32, #tpu.memory_space<hbm>>, %arg8: memref<128x128xf32, #tpu.memory_space<hbm>>, %arg9: memref<20480x128xf32, #tpu.memory_space<hbm>>, %arg10: memref<128xi32, #tpu.memory_space<vmem>>, %arg11: memref<128xi32, #tpu.memory_space<vmem>>, %arg12: memref<128x128xf32, #tpu.memory_space<vmem>>, %arg13: memref<128xi32, #tpu.memory_space<vmem>>, %arg14: memref<128xi32, #tpu.memory_space<vmem>>, %arg15: memref<128x128xf32, #tpu.memory_space<vmem>>, %arg16: memref<10240x128xf32, #tpu.memory_space<vmem_shared>>, %arg17: memref<!tpu.dma_semaphore, #tpu.memory_space<semaphore_mem>>, %arg18: memref<!tpu.dma_semaphore, #tpu.memory_space<semaphore_mem>>) attributes {dimension_semantics = [#tpu.dimension_semantics<core_parallel>, #tpu.dimension_semantics<subcore_parallel>], iteration_bounds = array<i64: 2, 16>, scalar_prefetch = 0 : i64, scratch_operands = 9 : i64, tpu.core_type = #tpu.core_type<sc_vector_subcore>, window_params = [{transform_indices = #map}, {transform_indices = #map}, {transform_indices = #map1}, {transform_indices = #map1}, {transform_indices = #map1}, {transform_indices = #map1}, {transform_indices = #map}, {transform_indices = #map}]} {
    %mul3A = arith.constant 2 : i32
    %mul3A_0 = arith.muli %arg1, %mul3A : i32
    %add3A = arith.addi %mul3A_0, %arg0 : i32
    %mul3A_1 = arith.constant 640 : i32
    %mul3A_2 = arith.muli %arg1, %mul3A_1 : i32
    "tpu.region"() ({
      %run_scoped3A = tpu.sem_alloc : memref<!tpu.dma_semaphore, #tpu.memory_space<semaphore_mem>>
      tpu.enqueue_dma source(%arg8 : memref<128x128xf32, #tpu.memory_space<hbm>>) target(%arg12 : memref<128x128xf32, #tpu.memory_space<vmem>>) target_semaphore(%run_scoped3A : memref<!tpu.dma_semaphore, #tpu.memory_space<semaphore_mem>>)
      tpu.wait_dma2 semaphore(%run_scoped3A : memref<!tpu.dma_semaphore, #tpu.memory_space<semaphore_mem>>) src(%arg8 : memref<128x128xf32, #tpu.memory_space<hbm>>) dst(%arg12 : memref<128x128xf32, #tpu.memory_space<vmem>>)
      tpu.yield
    }) : () -> ()
    %add3A_3 = arith.constant 0 : i32
    %add3A_4 = arith.addi %mul3A_2, %add3A_3 : i32
    "tpu.region"() ({
      %run_scoped3A = tpu.sem_alloc : memref<!tpu.dma_semaphore, #tpu.memory_space<semaphore_mem>>
      %dma_start3A = arith.constant 0 : i32
      %dma_start3A_48 = tpu.memref_slice %arg16[%add3A_4, %dma_start3A] : memref<10240x128xf32, #tpu.memory_space<vmem_shared>> -> memref<128x128xf32, #tpu.memory_space<vmem_shared>>
      %dma_start3A_49 = arith.constant 0 : i32
      %dma_start3A_50 = tpu.memref_slice %arg16[%add3A_4, %dma_start3A_49] : memref<10240x128xf32, #tpu.memory_space<vmem_shared>> -> memref<128x128xf32, #tpu.memory_space<vmem_shared>>
      tpu.enqueue_dma source(%arg12 : memref<128x128xf32, #tpu.memory_space<vmem>>) target(%dma_start3A_50 : memref<128x128xf32, #tpu.memory_space<vmem_shared>>) target_semaphore(%run_scoped3A : memref<!tpu.dma_semaphore, #tpu.memory_space<semaphore_mem>>)
      %dma_wait3A = arith.constant 0 : i32
      %dma_wait3A_51 = tpu.memref_slice %arg16[%add3A_4, %dma_wait3A] : memref<10240x128xf32, #tpu.memory_space<vmem_shared>> -> memref<128x128xf32, #tpu.memory_space<vmem_shared>>
      %dma_wait3A_52 = arith.constant 0 : i32
      %dma_wait3A_53 = tpu.memref_slice %arg16[%add3A_4, %dma_wait3A_52] : memref<10240x128xf32, #tpu.memory_space<vmem_shared>> -> memref<128x128xf32, #tpu.memory_space<vmem_shared>>
      tpu.wait_dma2 semaphore(%run_scoped3A : memref<!tpu.dma_semaphore, #tpu.memory_space<semaphore_mem>>) src(%arg12 : memref<128x128xf32, #tpu.memory_space<vmem>>) dst(%dma_wait3A_53 : memref<128x128xf32, #tpu.memory_space<vmem_shared>>)
      tpu.yield
    }) : () -> ()
    %add3A_5 = arith.constant 128 : i32
    %add3A_6 = arith.addi %mul3A_2, %add3A_5 : i32
    "tpu.region"() ({
      %run_scoped3A = tpu.sem_alloc : memref<!tpu.dma_semaphore, #tpu.memory_space<semaphore_mem>>
      %dma_start3A = arith.constant 0 : i32
      %dma_start3A_48 = tpu.memref_slice %arg16[%add3A_6, %dma_start3A] : memref<10240x128xf32, #tpu.memory_space<vmem_shared>> -> memref<128x128xf32, #tpu.memory_space<vmem_shared>>
      %dma_start3A_49 = arith.constant 0 : i32
      %dma_start3A_50 = tpu.memref_slice %arg16[%add3A_6, %dma_start3A_49] : memref<10240x128xf32, #tpu.memory_space<vmem_shared>> -> memref<128x128xf32, #tpu.memory_space<vmem_shared>>
      tpu.enqueue_dma source(%arg12 : memref<128x128xf32, #tpu.memory_space<vmem>>) target(%dma_start3A_50 : memref<128x128xf32, #tpu.memory_space<vmem_shared>>) target_semaphore(%run_scoped3A : memref<!tpu.dma_semaphore, #tpu.memory_space<semaphore_mem>>)
      %dma_wait3A = arith.constant 0 : i32
      %dma_wait3A_51 = tpu.memref_slice %arg16[%add3A_6, %dma_wait3A] : memref<10240x128xf32, #tpu.memory_space<vmem_shared>> -> memref<128x128xf32, #tpu.memory_space<vmem_shared>>
      %dma_wait3A_52 = arith.constant 0 : i32
      %dma_wait3A_53 = tpu.memref_slice %arg16[%add3A_6, %dma_wait3A_52] : memref<10240x128xf32, #tpu.memory_space<vmem_shared>> -> memref<128x128xf32, #tpu.memory_space<vmem_shared>>
      tpu.wait_dma2 semaphore(%run_scoped3A : memref<!tpu.dma_semaphore, #tpu.memory_space<semaphore_mem>>) src(%arg12 : memref<128x128xf32, #tpu.memory_space<vmem>>) dst(%dma_wait3A_53 : memref<128x128xf32, #tpu.memory_space<vmem_shared>>)
      tpu.yield
    }) : () -> ()
    %add3A_7 = arith.constant 256 : i32
    %add3A_8 = arith.addi %mul3A_2, %add3A_7 : i32
    "tpu.region"() ({
      %run_scoped3A = tpu.sem_alloc : memref<!tpu.dma_semaphore, #tpu.memory_space<semaphore_mem>>
      %dma_start3A = arith.constant 0 : i32
      %dma_start3A_48 = tpu.memref_slice %arg16[%add3A_8, %dma_start3A] : memref<10240x128xf32, #tpu.memory_space<vmem_shared>> -> memref<128x128xf32, #tpu.memory_space<vmem_shared>>
      %dma_start3A_49 = arith.constant 0 : i32
      %dma_start3A_50 = tpu.memref_slice %arg16[%add3A_8, %dma_start3A_49] : memref<10240x128xf32, #tpu.memory_space<vmem_shared>> -> memref<128x128xf32, #tpu.memory_space<vmem_shared>>
      tpu.enqueue_dma source(%arg12 : memref<128x128xf32, #tpu.memory_space<vmem>>) target(%dma_start3A_50 : memref<128x128xf32, #tpu.memory_space<vmem_shared>>) target_semaphore(%run_scoped3A : memref<!tpu.dma_semaphore, #tpu.memory_space<semaphore_mem>>)
      %dma_wait3A = arith.constant 0 : i32
      %dma_wait3A_51 = tpu.memref_slice %arg16[%add3A_8, %dma_wait3A] : memref<10240x128xf32, #tpu.memory_space<vmem_shared>> -> memref<128x128xf32, #tpu.memory_space<vmem_shared>>
      %dma_wait3A_52 = arith.constant 0 : i32
      %dma_wait3A_53 = tpu.memref_slice %arg16[%add3A_8, %dma_wait3A_52] : memref<10240x128xf32, #tpu.memory_space<vmem_shared>> -> memref<128x128xf32, #tpu.memory_space<vmem_shared>>
      tpu.wait_dma2 semaphore(%run_scoped3A : memref<!tpu.dma_semaphore, #tpu.memory_space<semaphore_mem>>) src(%arg12 : memref<128x128xf32, #tpu.memory_space<vmem>>) dst(%dma_wait3A_53 : memref<128x128xf32, #tpu.memory_space<vmem_shared>>)
      tpu.yield
    }) : () -> ()
    %add3A_9 = arith.constant 384 : i32
    %add3A_10 = arith.addi %mul3A_2, %add3A_9 : i32
    "tpu.region"() ({
      %run_scoped3A = tpu.sem_alloc : memref<!tpu.dma_semaphore, #tpu.memory_space<semaphore_mem>>
      %dma_start3A = arith.constant 0 : i32
      %dma_start3A_48 = tpu.memref_slice %arg16[%add3A_10, %dma_start3A] : memref<10240x128xf32, #tpu.memory_space<vmem_shared>> -> memref<128x128xf32, #tpu.memory_space<vmem_shared>>
      %dma_start3A_49 = arith.constant 0 : i32
      %dma_start3A_50 = tpu.memref_slice %arg16[%add3A_10, %dma_start3A_49] : memref<10240x128xf32, #tpu.memory_space<vmem_shared>> -> memref<128x128xf32, #tpu.memory_space<vmem_shared>>
      tpu.enqueue_dma source(%arg12 : memref<128x128xf32, #tpu.memory_space<vmem>>) target(%dma_start3A_50 : memref<128x128xf32, #tpu.memory_space<vmem_shared>>) target_semaphore(%run_scoped3A : memref<!tpu.dma_semaphore, #tpu.memory_space<semaphore_mem>>)
      %dma_wait3A = arith.constant 0 : i32
      %dma_wait3A_51 = tpu.memref_slice %arg16[%add3A_10, %dma_wait3A] : memref<10240x128xf32, #tpu.memory_space<vmem_shared>> -> memref<128x128xf32, #tpu.memory_space<vmem_shared>>
      %dma_wait3A_52 = arith.constant 0 : i32
      %dma_wait3A_53 = tpu.memref_slice %arg16[%add3A_10, %dma_wait3A_52] : memref<10240x128xf32, #tpu.memory_space<vmem_shared>> -> memref<128x128xf32, #tpu.memory_space<vmem_shared>>
      tpu.wait_dma2 semaphore(%run_scoped3A : memref<!tpu.dma_semaphore, #tpu.memory_space<semaphore_mem>>) src(%arg12 : memref<128x128xf32, #tpu.memory_space<vmem>>) dst(%dma_wait3A_53 : memref<128x128xf32, #tpu.memory_space<vmem_shared>>)
      tpu.yield
    }) : () -> ()
    %add3A_11 = arith.constant 512 : i32
    %add3A_12 = arith.addi %mul3A_2, %add3A_11 : i32
    "tpu.region"() ({
      %run_scoped3A = tpu.sem_alloc : memref<!tpu.dma_semaphore, #tpu.memory_space<semaphore_mem>>
      %dma_start3A = arith.constant 0 : i32
      %dma_start3A_48 = tpu.memref_slice %arg16[%add3A_12, %dma_start3A] : memref<10240x128xf32, #tpu.memory_space<vmem_shared>> -> memref<128x128xf32, #tpu.memory_space<vmem_shared>>
      %dma_start3A_49 = arith.constant 0 : i32
      %dma_start3A_50 = tpu.memref_slice %arg16[%add3A_12, %dma_start3A_49] : memref<10240x128xf32, #tpu.memory_space<vmem_shared>> -> memref<128x128xf32, #tpu.memory_space<vmem_shared>>
      tpu.enqueue_dma source(%arg12 : memref<128x128xf32, #tpu.memory_space<vmem>>) target(%dma_start3A_50 : memref<128x128xf32, #tpu.memory_space<vmem_shared>>) target_semaphore(%run_scoped3A : memref<!tpu.dma_semaphore, #tpu.memory_space<semaphore_mem>>)
      %dma_wait3A = arith.constant 0 : i32
      %dma_wait3A_51 = tpu.memref_slice %arg16[%add3A_12, %dma_wait3A] : memref<10240x128xf32, #tpu.memory_space<vmem_shared>> -> memref<128x128xf32, #tpu.memory_space<vmem_shared>>
      %dma_wait3A_52 = arith.constant 0 : i32
      %dma_wait3A_53 = tpu.memref_slice %arg16[%add3A_12, %dma_wait3A_52] : memref<10240x128xf32, #tpu.memory_space<vmem_shared>> -> memref<128x128xf32, #tpu.memory_space<vmem_shared>>
      tpu.wait_dma2 semaphore(%run_scoped3A : memref<!tpu.dma_semaphore, #tpu.memory_space<semaphore_mem>>) src(%arg12 : memref<128x128xf32, #tpu.memory_space<vmem>>) dst(%dma_wait3A_53 : memref<128x128xf32, #tpu.memory_space<vmem_shared>>)
      tpu.yield
    }) : () -> ()
    %barrier3A = arith.constant 0 : index
    tpu.barrier barrier_id(%barrier3A)
    %scan3A = arith.constant 0 : i32
    %scan3A_13 = arith.constant 0 : i32
    %scan3A_14 = arith.constant 20 : i32
    %scan3A_15 = arith.addi %scan3A_13, %scan3A_14 : i32
    %scan3A_16 = arith.constant 1 : i32
    scf.for %scan3A_48 = %scan3A_13 to %scan3A_15 step %scan3A_16  : i32 {
      %mul3A_49 = arith.constant 2 : i32
      %mul3A_50 = arith.muli %mul3A_49, %scan3A_48 : i32
      %mul3A_51 = arith.constant 32 : i32
      %mul3A_52 = arith.muli %mul3A_50, %mul3A_51 : i32
      %add3A_53 = arith.addi %mul3A_52, %add3A : i32
      %mul3A_54 = arith.constant 2 : i32
      %mul3A_55 = arith.muli %mul3A_54, %scan3A_48 : i32
      %add3A_56 = arith.constant 1 : i32
      %add3A_57 = arith.addi %mul3A_55, %add3A_56 : i32
      %mul3A_58 = arith.constant 32 : i32
      %mul3A_59 = arith.muli %add3A_57, %mul3A_58 : i32
      %add3A_60 = arith.addi %mul3A_59, %add3A : i32
      %lt3A = arith.constant 1250 : i32
      %lt3A_61 = arith.cmpi slt, %add3A_53, %lt3A : i32
      %convert_element_type3A = arith.extui %lt3A_61 : i1 to i32
      %cond3A = arith.constant 0 : i32
      %cond3A_62 = arith.cmpi ne, %convert_element_type3A, %cond3A : i32
      scf.if %cond3A_62 {
        %mul3A_63 = arith.constant 128 : i32
        %mul3A_64 = arith.muli %add3A_53, %mul3A_63 : i32
        "tpu.region"() ({
          %run_scoped3A = tpu.sem_alloc : memref<!tpu.dma_semaphore, #tpu.memory_space<semaphore_mem>>
          %dma_start3A_76 = tpu.memref_slice %arg4[%mul3A_64] : memref<160000xi32, #tpu.memory_space<hbm>> -> memref<128xi32, #tpu.memory_space<hbm>>
          %dma_start3A_77 = tpu.memref_slice %arg4[%mul3A_64] : memref<160000xi32, #tpu.memory_space<hbm>> -> memref<128xi32, #tpu.memory_space<hbm>>
          tpu.enqueue_dma source(%dma_start3A_77 : memref<128xi32, #tpu.memory_space<hbm>>) target(%arg10 : memref<128xi32, #tpu.memory_space<vmem>>) target_semaphore(%run_scoped3A : memref<!tpu.dma_semaphore, #tpu.memory_space<semaphore_mem>>)
          %dma_wait3A = tpu.memref_slice %arg4[%mul3A_64] : memref<160000xi32, #tpu.memory_space<hbm>> -> memref<128xi32, #tpu.memory_space<hbm>>
          %dma_wait3A_78 = tpu.memref_slice %arg4[%mul3A_64] : memref<160000xi32, #tpu.memory_space<hbm>> -> memref<128xi32, #tpu.memory_space<hbm>>
          tpu.wait_dma2 semaphore(%run_scoped3A : memref<!tpu.dma_semaphore, #tpu.memory_space<semaphore_mem>>) src(%dma_wait3A_78 : memref<128xi32, #tpu.memory_space<hbm>>) dst(%arg10 : memref<128xi32, #tpu.memory_space<vmem>>)
          tpu.yield
        }) : () -> ()
        "tpu.region"() ({
          %run_scoped3A = tpu.sem_alloc : memref<!tpu.dma_semaphore, #tpu.memory_space<semaphore_mem>>
          %dma_start3A_76 = tpu.memref_slice %arg5[%mul3A_64] : memref<160000xi32, #tpu.memory_space<hbm>> -> memref<128xi32, #tpu.memory_space<hbm>>
          %dma_start3A_77 = tpu.memref_slice %arg5[%mul3A_64] : memref<160000xi32, #tpu.memory_space<hbm>> -> memref<128xi32, #tpu.memory_space<hbm>>
          tpu.enqueue_dma source(%dma_start3A_77 : memref<128xi32, #tpu.memory_space<hbm>>) target(%arg11 : memref<128xi32, #tpu.memory_space<vmem>>) target_semaphore(%run_scoped3A : memref<!tpu.dma_semaphore, #tpu.memory_space<semaphore_mem>>)
          %dma_wait3A = tpu.memref_slice %arg5[%mul3A_64] : memref<160000xi32, #tpu.memory_space<hbm>> -> memref<128xi32, #tpu.memory_space<hbm>>
          %dma_wait3A_78 = tpu.memref_slice %arg5[%mul3A_64] : memref<160000xi32, #tpu.memory_space<hbm>> -> memref<128xi32, #tpu.memory_space<hbm>>
          tpu.wait_dma2 semaphore(%run_scoped3A : memref<!tpu.dma_semaphore, #tpu.memory_space<semaphore_mem>>) src(%dma_wait3A_78 : memref<128xi32, #tpu.memory_space<hbm>>) dst(%arg11 : memref<128xi32, #tpu.memory_space<vmem>>)
          tpu.yield
        }) : () -> ()
        %dma_start3A = arith.constant 0 : i32
        %dma_start3A_65 = arith.constant 0 : i32
        %dma_start3A_66 = tpu.memref_slice %arg2[%dma_start3A, %dma_start3A_65] : memref<10000x128xf32, #tpu.memory_space<hbm>> -> memref<10000x128xf32, #tpu.memory_space<hbm>>
        tpu.enqueue_indirect_dma source(%dma_start3A_66 : memref<10000x128xf32, #tpu.memory_space<hbm>>) target(%arg12 : memref<128x128xf32, #tpu.memory_space<vmem>>) offsets(%arg10 : memref<128xi32, #tpu.memory_space<vmem>>) semaphore(%arg17 : memref<!tpu.dma_semaphore, #tpu.memory_space<semaphore_mem>>)
        %lt3A_67 = arith.constant 1250 : i32
        %lt3A_68 = arith.cmpi slt, %add3A_60, %lt3A_67 : i32
        %convert_element_type3A_69 = arith.extui %lt3A_68 : i1 to i32
        %cond3A_70 = arith.constant 0 : i32
        %cond3A_71 = arith.cmpi ne, %convert_element_type3A_69, %cond3A_70 : i32
        scf.if %cond3A_71 {
          %mul3A_76 = arith.constant 128 : i32
          %mul3A_77 = arith.muli %add3A_60, %mul3A_76 : i32
          "tpu.region"() ({
            %run_scoped3A = tpu.sem_alloc : memref<!tpu.dma_semaphore, #tpu.memory_space<semaphore_mem>>
            %dma_start3A_86 = tpu.memref_slice %arg4[%mul3A_77] : memref<160000xi32, #tpu.memory_space<hbm>> -> memref<128xi32, #tpu.memory_space<hbm>>
            %dma_start3A_87 = tpu.memref_slice %arg4[%mul3A_77] : memref<160000xi32, #tpu.memory_space<hbm>> -> memref<128xi32, #tpu.memory_space<hbm>>
            tpu.enqueue_dma source(%dma_start3A_87 : memref<128xi32, #tpu.memory_space<hbm>>) target(%arg13 : memref<128xi32, #tpu.memory_space<vmem>>) target_semaphore(%run_scoped3A : memref<!tpu.dma_semaphore, #tpu.memory_space<semaphore_mem>>)
            %dma_wait3A_88 = tpu.memref_slice %arg4[%mul3A_77] : memref<160000xi32, #tpu.memory_space<hbm>> -> memref<128xi32, #tpu.memory_space<hbm>>
            %dma_wait3A_89 = tpu.memref_slice %arg4[%mul3A_77] : memref<160000xi32, #tpu.memory_space<hbm>> -> memref<128xi32, #tpu.memory_space<hbm>>
            tpu.wait_dma2 semaphore(%run_scoped3A : memref<!tpu.dma_semaphore, #tpu.memory_space<semaphore_mem>>) src(%dma_wait3A_89 : memref<128xi32, #tpu.memory_space<hbm>>) dst(%arg13 : memref<128xi32, #tpu.memory_space<vmem>>)
            tpu.yield
          }) : () -> ()
          "tpu.region"() ({
            %run_scoped3A = tpu.sem_alloc : memref<!tpu.dma_semaphore, #tpu.memory_space<semaphore_mem>>
            %dma_start3A_86 = tpu.memref_slice %arg5[%mul3A_77] : memref<160000xi32, #tpu.memory_space<hbm>> -> memref<128xi32, #tpu.memory_space<hbm>>
            %dma_start3A_87 = tpu.memref_slice %arg5[%mul3A_77] : memref<160000xi32, #tpu.memory_space<hbm>> -> memref<128xi32, #tpu.memory_space<hbm>>
            tpu.enqueue_dma source(%dma_start3A_87 : memref<128xi32, #tpu.memory_space<hbm>>) target(%arg14 : memref<128xi32, #tpu.memory_space<vmem>>) target_semaphore(%run_scoped3A : memref<!tpu.dma_semaphore, #tpu.memory_space<semaphore_mem>>)
            %dma_wait3A_88 = tpu.memref_slice %arg5[%mul3A_77] : memref<160000xi32, #tpu.memory_space<hbm>> -> memref<128xi32, #tpu.memory_space<hbm>>
            %dma_wait3A_89 = tpu.memref_slice %arg5[%mul3A_77] : memref<160000xi32, #tpu.memory_space<hbm>> -> memref<128xi32, #tpu.memory_space<hbm>>
            tpu.wait_dma2 semaphore(%run_scoped3A : memref<!tpu.dma_semaphore, #tpu.memory_space<semaphore_mem>>) src(%dma_wait3A_89 : memref<128xi32, #tpu.memory_space<hbm>>) dst(%arg14 : memref<128xi32, #tpu.memory_space<vmem>>)
            tpu.yield
          }) : () -> ()
          %dma_start3A_78 = arith.constant 0 : i32
          %dma_start3A_79 = arith.constant 0 : i32
          %dma_start3A_80 = tpu.memref_slice %arg2[%dma_start3A_78, %dma_start3A_79] : memref<10000x128xf32, #tpu.memory_space<hbm>> -> memref<10000x128xf32, #tpu.memory_space<hbm>>
          tpu.enqueue_indirect_dma source(%dma_start3A_80 : memref<10000x128xf32, #tpu.memory_space<hbm>>) target(%arg15 : memref<128x128xf32, #tpu.memory_space<vmem>>) offsets(%arg13 : memref<128xi32, #tpu.memory_space<vmem>>) semaphore(%arg18 : memref<!tpu.dma_semaphore, #tpu.memory_space<semaphore_mem>>)
          %dma_wait3A = arith.constant 0 : i32
          %dma_wait3A_81 = arith.constant 0 : i32
          %dma_wait3A_82 = tpu.memref_slice %arg2[%dma_wait3A, %dma_wait3A_81] : memref<10000x128xf32, #tpu.memory_space<hbm>> -> memref<10000x128xf32, #tpu.memory_space<hbm>>
          tpu.wait_indirect_dma semaphore(%arg17 : memref<!tpu.dma_semaphore, #tpu.memory_space<semaphore_mem>>) src(%dma_wait3A_82 : memref<10000x128xf32, #tpu.memory_space<hbm>>) dst(%arg12 : memref<128x128xf32, #tpu.memory_space<vmem>>)
          "tpu.region"() ({
            %run_scoped3A = tpu.sem_alloc : memref<!tpu.dma_semaphore, #tpu.memory_space<semaphore_mem>>
            %dma_start3A_86 = arith.constant 0 : i32
            %dma_start3A_87 = arith.constant 0 : i32
            %dma_start3A_88 = tpu.memref_slice %arg16[%dma_start3A_86, %dma_start3A_87] : memref<10240x128xf32, #tpu.memory_space<vmem_shared>> -> memref<10240x128xf32, #tpu.memory_space<vmem_shared>>
            tpu.enqueue_indirect_dma source(%arg12 : memref<128x128xf32, #tpu.memory_space<vmem>>) target(%dma_start3A_88 : memref<10240x128xf32, #tpu.memory_space<vmem_shared>>) offsets(%arg11 : memref<128xi32, #tpu.memory_space<vmem>>) semaphore(%run_scoped3A : memref<!tpu.dma_semaphore, #tpu.memory_space<semaphore_mem>>) {add = true}
            %dma_wait3A_89 = arith.constant 0 : i32
            %dma_wait3A_90 = arith.constant 0 : i32
            %dma_wait3A_91 = tpu.memref_slice %arg16[%dma_wait3A_89, %dma_wait3A_90] : memref<10240x128xf32, #tpu.memory_space<vmem_shared>> -> memref<10240x128xf32, #tpu.memory_space<vmem_shared>>
            tpu.wait_indirect_dma semaphore(%run_scoped3A : memref<!tpu.dma_semaphore, #tpu.memory_space<semaphore_mem>>) src(%arg12 : memref<128x128xf32, #tpu.memory_space<vmem>>) dst(%dma_wait3A_91 : memref<10240x128xf32, #tpu.memory_space<vmem_shared>>)
            tpu.yield
          }) : () -> ()
          %dma_wait3A_83 = arith.constant 0 : i32
          %dma_wait3A_84 = arith.constant 0 : i32
          %dma_wait3A_85 = tpu.memref_slice %arg2[%dma_wait3A_83, %dma_wait3A_84] : memref<10000x128xf32, #tpu.memory_space<hbm>> -> memref<10000x128xf32, #tpu.memory_space<hbm>>
          tpu.wait_indirect_dma semaphore(%arg18 : memref<!tpu.dma_semaphore, #tpu.memory_space<semaphore_mem>>) src(%dma_wait3A_85 : memref<10000x128xf32, #tpu.memory_space<hbm>>) dst(%arg15 : memref<128x128xf32, #tpu.memory_space<vmem>>)
          "tpu.region"() ({
            %run_scoped3A = tpu.sem_alloc : memref<!tpu.dma_semaphore, #tpu.memory_space<semaphore_mem>>
            %dma_start3A_86 = arith.constant 0 : i32
            %dma_start3A_87 = arith.constant 0 : i32
            %dma_start3A_88 = tpu.memref_slice %arg16[%dma_start3A_86, %dma_start3A_87] : memref<10240x128xf32, #tpu.memory_space<vmem_shared>> -> memref<10240x128xf32, #tpu.memory_space<vmem_shared>>
            tpu.enqueue_indirect_dma source(%arg15 : memref<128x128xf32, #tpu.memory_space<vmem>>) target(%dma_start3A_88 : memref<10240x128xf32, #tpu.memory_space<vmem_shared>>) offsets(%arg14 : memref<128xi32, #tpu.memory_space<vmem>>) semaphore(%run_scoped3A : memref<!tpu.dma_semaphore, #tpu.memory_space<semaphore_mem>>) {add = true}
            %dma_wait3A_89 = arith.constant 0 : i32
            %dma_wait3A_90 = arith.constant 0 : i32
            %dma_wait3A_91 = tpu.memref_slice %arg16[%dma_wait3A_89, %dma_wait3A_90] : memref<10240x128xf32, #tpu.memory_space<vmem_shared>> -> memref<10240x128xf32, #tpu.memory_space<vmem_shared>>
            tpu.wait_indirect_dma semaphore(%run_scoped3A : memref<!tpu.dma_semaphore, #tpu.memory_space<semaphore_mem>>) src(%arg15 : memref<128x128xf32, #tpu.memory_space<vmem>>) dst(%dma_wait3A_91 : memref<10240x128xf32, #tpu.memory_space<vmem_shared>>)
            tpu.yield
          }) : () -> ()
        } else {
        }
        %ge3A = arith.constant 1250 : i32
        %ge3A_72 = arith.cmpi sge, %add3A_60, %ge3A : i32
        %convert_element_type3A_73 = arith.extui %ge3A_72 : i1 to i32
        %cond3A_74 = arith.constant 0 : i32
        %cond3A_75 = arith.cmpi ne, %convert_element_type3A_73, %cond3A_74 : i32
        scf.if %cond3A_75 {
          %dma_wait3A = arith.constant 0 : i32
          %dma_wait3A_76 = arith.constant 0 : i32
          %dma_wait3A_77 = tpu.memref_slice %arg2[%dma_wait3A, %dma_wait3A_76] : memref<10000x128xf32, #tpu.memory_space<hbm>> -> memref<10000x128xf32, #tpu.memory_space<hbm>>
          tpu.wait_indirect_dma semaphore(%arg17 : memref<!tpu.dma_semaphore, #tpu.memory_space<semaphore_mem>>) src(%dma_wait3A_77 : memref<10000x128xf32, #tpu.memory_space<hbm>>) dst(%arg12 : memref<128x128xf32, #tpu.memory_space<vmem>>)
          "tpu.region"() ({
            %run_scoped3A = tpu.sem_alloc : memref<!tpu.dma_semaphore, #tpu.memory_space<semaphore_mem>>
            %dma_start3A_78 = arith.constant 0 : i32
            %dma_start3A_79 = arith.constant 0 : i32
            %dma_start3A_80 = tpu.memref_slice %arg16[%dma_start3A_78, %dma_start3A_79] : memref<10240x128xf32, #tpu.memory_space<vmem_shared>> -> memref<10240x128xf32, #tpu.memory_space<vmem_shared>>
            tpu.enqueue_indirect_dma source(%arg12 : memref<128x128xf32, #tpu.memory_space<vmem>>) target(%dma_start3A_80 : memref<10240x128xf32, #tpu.memory_space<vmem_shared>>) offsets(%arg11 : memref<128xi32, #tpu.memory_space<vmem>>) semaphore(%run_scoped3A : memref<!tpu.dma_semaphore, #tpu.memory_space<semaphore_mem>>) {add = true}
            %dma_wait3A_81 = arith.constant 0 : i32
            %dma_wait3A_82 = arith.constant 0 : i32
            %dma_wait3A_83 = tpu.memref_slice %arg16[%dma_wait3A_81, %dma_wait3A_82] : memref<10240x128xf32, #tpu.memory_space<vmem_shared>> -> memref<10240x128xf32, #tpu.memory_space<vmem_shared>>
            tpu.wait_indirect_dma semaphore(%run_scoped3A : memref<!tpu.dma_semaphore, #tpu.memory_space<semaphore_mem>>) src(%arg12 : memref<128x128xf32, #tpu.memory_space<vmem>>) dst(%dma_wait3A_83 : memref<10240x128xf32, #tpu.memory_space<vmem_shared>>)
            tpu.yield
          }) : () -> ()
        } else {
        }
      } else {
      }
    }
    %scan3A_17 = arith.constant 20 : i32
    %scan3A_18 = arith.constant 0 : i32
    %scan3A_19 = arith.constant 0 : i32
    %scan3A_20 = arith.constant 20 : i32
    %scan3A_21 = arith.addi %scan3A_19, %scan3A_20 : i32
    %scan3A_22 = arith.constant 1 : i32
    scf.for %scan3A_48 = %scan3A_19 to %scan3A_21 step %scan3A_22  : i32 {
      %mul3A_49 = arith.constant 2 : i32
      %mul3A_50 = arith.muli %mul3A_49, %scan3A_48 : i32
      %mul3A_51 = arith.constant 32 : i32
      %mul3A_52 = arith.muli %mul3A_50, %mul3A_51 : i32
      %add3A_53 = arith.addi %mul3A_52, %add3A : i32
      %mul3A_54 = arith.constant 2 : i32
      %mul3A_55 = arith.muli %mul3A_54, %scan3A_48 : i32
      %add3A_56 = arith.constant 1 : i32
      %add3A_57 = arith.addi %mul3A_55, %add3A_56 : i32
      %mul3A_58 = arith.constant 32 : i32
      %mul3A_59 = arith.muli %add3A_57, %mul3A_58 : i32
      %add3A_60 = arith.addi %mul3A_59, %add3A : i32
      %lt3A = arith.constant 1250 : i32
      %lt3A_61 = arith.cmpi slt, %add3A_53, %lt3A : i32
      %convert_element_type3A = arith.extui %lt3A_61 : i1 to i32
      %cond3A = arith.constant 0 : i32
      %cond3A_62 = arith.cmpi ne, %convert_element_type3A, %cond3A : i32
      scf.if %cond3A_62 {
        %mul3A_63 = arith.constant 128 : i32
        %mul3A_64 = arith.muli %add3A_53, %mul3A_63 : i32
        "tpu.region"() ({
          %run_scoped3A = tpu.sem_alloc : memref<!tpu.dma_semaphore, #tpu.memory_space<semaphore_mem>>
          %dma_start3A_76 = tpu.memref_slice %arg6[%mul3A_64] : memref<160000xi32, #tpu.memory_space<hbm>> -> memref<128xi32, #tpu.memory_space<hbm>>
          %dma_start3A_77 = tpu.memref_slice %arg6[%mul3A_64] : memref<160000xi32, #tpu.memory_space<hbm>> -> memref<128xi32, #tpu.memory_space<hbm>>
          tpu.enqueue_dma source(%dma_start3A_77 : memref<128xi32, #tpu.memory_space<hbm>>) target(%arg10 : memref<128xi32, #tpu.memory_space<vmem>>) target_semaphore(%run_scoped3A : memref<!tpu.dma_semaphore, #tpu.memory_space<semaphore_mem>>)
          %dma_wait3A = tpu.memref_slice %arg6[%mul3A_64] : memref<160000xi32, #tpu.memory_space<hbm>> -> memref<128xi32, #tpu.memory_space<hbm>>
          %dma_wait3A_78 = tpu.memref_slice %arg6[%mul3A_64] : memref<160000xi32, #tpu.memory_space<hbm>> -> memref<128xi32, #tpu.memory_space<hbm>>
          tpu.wait_dma2 semaphore(%run_scoped3A : memref<!tpu.dma_semaphore, #tpu.memory_space<semaphore_mem>>) src(%dma_wait3A_78 : memref<128xi32, #tpu.memory_space<hbm>>) dst(%arg10 : memref<128xi32, #tpu.memory_space<vmem>>)
          tpu.yield
        }) : () -> ()
        "tpu.region"() ({
          %run_scoped3A = tpu.sem_alloc : memref<!tpu.dma_semaphore, #tpu.memory_space<semaphore_mem>>
          %dma_start3A_76 = tpu.memref_slice %arg7[%mul3A_64] : memref<160000xi32, #tpu.memory_space<hbm>> -> memref<128xi32, #tpu.memory_space<hbm>>
          %dma_start3A_77 = tpu.memref_slice %arg7[%mul3A_64] : memref<160000xi32, #tpu.memory_space<hbm>> -> memref<128xi32, #tpu.memory_space<hbm>>
          tpu.enqueue_dma source(%dma_start3A_77 : memref<128xi32, #tpu.memory_space<hbm>>) target(%arg11 : memref<128xi32, #tpu.memory_space<vmem>>) target_semaphore(%run_scoped3A : memref<!tpu.dma_semaphore, #tpu.memory_space<semaphore_mem>>)
          %dma_wait3A = tpu.memref_slice %arg7[%mul3A_64] : memref<160000xi32, #tpu.memory_space<hbm>> -> memref<128xi32, #tpu.memory_space<hbm>>
          %dma_wait3A_78 = tpu.memref_slice %arg7[%mul3A_64] : memref<160000xi32, #tpu.memory_space<hbm>> -> memref<128xi32, #tpu.memory_space<hbm>>
          tpu.wait_dma2 semaphore(%run_scoped3A : memref<!tpu.dma_semaphore, #tpu.memory_space<semaphore_mem>>) src(%dma_wait3A_78 : memref<128xi32, #tpu.memory_space<hbm>>) dst(%arg11 : memref<128xi32, #tpu.memory_space<vmem>>)
          tpu.yield
        }) : () -> ()
        %dma_start3A = arith.constant 0 : i32
        %dma_start3A_65 = arith.constant 0 : i32
        %dma_start3A_66 = tpu.memref_slice %arg3[%dma_start3A, %dma_start3A_65] : memref<10000x128xf32, #tpu.memory_space<hbm>> -> memref<10000x128xf32, #tpu.memory_space<hbm>>
        tpu.enqueue_indirect_dma source(%dma_start3A_66 : memref<10000x128xf32, #tpu.memory_space<hbm>>) target(%arg12 : memref<128x128xf32, #tpu.memory_space<vmem>>) offsets(%arg10 : memref<128xi32, #tpu.memory_space<vmem>>) semaphore(%arg17 : memref<!tpu.dma_semaphore, #tpu.memory_space<semaphore_mem>>)
        %lt3A_67 = arith.constant 1250 : i32
        %lt3A_68 = arith.cmpi slt, %add3A_60, %lt3A_67 : i32
        %convert_element_type3A_69 = arith.extui %lt3A_68 : i1 to i32
        %cond3A_70 = arith.constant 0 : i32
        %cond3A_71 = arith.cmpi ne, %convert_element_type3A_69, %cond3A_70 : i32
        scf.if %cond3A_71 {
          %mul3A_76 = arith.constant 128 : i32
          %mul3A_77 = arith.muli %add3A_60, %mul3A_76 : i32
          "tpu.region"() ({
            %run_scoped3A = tpu.sem_alloc : memref<!tpu.dma_semaphore, #tpu.memory_space<semaphore_mem>>
            %dma_start3A_86 = tpu.memref_slice %arg6[%mul3A_77] : memref<160000xi32, #tpu.memory_space<hbm>> -> memref<128xi32, #tpu.memory_space<hbm>>
            %dma_start3A_87 = tpu.memref_slice %arg6[%mul3A_77] : memref<160000xi32, #tpu.memory_space<hbm>> -> memref<128xi32, #tpu.memory_space<hbm>>
            tpu.enqueue_dma source(%dma_start3A_87 : memref<128xi32, #tpu.memory_space<hbm>>) target(%arg13 : memref<128xi32, #tpu.memory_space<vmem>>) target_semaphore(%run_scoped3A : memref<!tpu.dma_semaphore, #tpu.memory_space<semaphore_mem>>)
            %dma_wait3A_88 = tpu.memref_slice %arg6[%mul3A_77] : memref<160000xi32, #tpu.memory_space<hbm>> -> memref<128xi32, #tpu.memory_space<hbm>>
            %dma_wait3A_89 = tpu.memref_slice %arg6[%mul3A_77] : memref<160000xi32, #tpu.memory_space<hbm>> -> memref<128xi32, #tpu.memory_space<hbm>>
            tpu.wait_dma2 semaphore(%run_scoped3A : memref<!tpu.dma_semaphore, #tpu.memory_space<semaphore_mem>>) src(%dma_wait3A_89 : memref<128xi32, #tpu.memory_space<hbm>>) dst(%arg13 : memref<128xi32, #tpu.memory_space<vmem>>)
            tpu.yield
          }) : () -> ()
          "tpu.region"() ({
            %run_scoped3A = tpu.sem_alloc : memref<!tpu.dma_semaphore, #tpu.memory_space<semaphore_mem>>
            %dma_start3A_86 = tpu.memref_slice %arg7[%mul3A_77] : memref<160000xi32, #tpu.memory_space<hbm>> -> memref<128xi32, #tpu.memory_space<hbm>>
            %dma_start3A_87 = tpu.memref_slice %arg7[%mul3A_77] : memref<160000xi32, #tpu.memory_space<hbm>> -> memref<128xi32, #tpu.memory_space<hbm>>
            tpu.enqueue_dma source(%dma_start3A_87 : memref<128xi32, #tpu.memory_space<hbm>>) target(%arg14 : memref<128xi32, #tpu.memory_space<vmem>>) target_semaphore(%run_scoped3A : memref<!tpu.dma_semaphore, #tpu.memory_space<semaphore_mem>>)
            %dma_wait3A_88 = tpu.memref_slice %arg7[%mul3A_77] : memref<160000xi32, #tpu.memory_space<hbm>> -> memref<128xi32, #tpu.memory_space<hbm>>
            %dma_wait3A_89 = tpu.memref_slice %arg7[%mul3A_77] : memref<160000xi32, #tpu.memory_space<hbm>> -> memref<128xi32, #tpu.memory_space<hbm>>
            tpu.wait_dma2 semaphore(%run_scoped3A : memref<!tpu.dma_semaphore, #tpu.memory_space<semaphore_mem>>) src(%dma_wait3A_89 : memref<128xi32, #tpu.memory_space<hbm>>) dst(%arg14 : memref<128xi32, #tpu.memory_space<vmem>>)
            tpu.yield
          }) : () -> ()
          %dma_start3A_78 = arith.constant 0 : i32
          %dma_start3A_79 = arith.constant 0 : i32
          %dma_start3A_80 = tpu.memref_slice %arg3[%dma_start3A_78, %dma_start3A_79] : memref<10000x128xf32, #tpu.memory_space<hbm>> -> memref<10000x128xf32, #tpu.memory_space<hbm>>
          tpu.enqueue_indirect_dma source(%dma_start3A_80 : memref<10000x128xf32, #tpu.memory_space<hbm>>) target(%arg15 : memref<128x128xf32, #tpu.memory_space<vmem>>) offsets(%arg13 : memref<128xi32, #tpu.memory_space<vmem>>) semaphore(%arg18 : memref<!tpu.dma_semaphore, #tpu.memory_space<semaphore_mem>>)
          %dma_wait3A = arith.constant 0 : i32
          %dma_wait3A_81 = arith.constant 0 : i32
          %dma_wait3A_82 = tpu.memref_slice %arg3[%dma_wait3A, %dma_wait3A_81] : memref<10000x128xf32, #tpu.memory_space<hbm>> -> memref<10000x128xf32, #tpu.memory_space<hbm>>
          tpu.wait_indirect_dma semaphore(%arg17 : memref<!tpu.dma_semaphore, #tpu.memory_space<semaphore_mem>>) src(%dma_wait3A_82 : memref<10000x128xf32, #tpu.memory_space<hbm>>) dst(%arg12 : memref<128x128xf32, #tpu.memory_space<vmem>>)
          "tpu.region"() ({
            %run_scoped3A = tpu.sem_alloc : memref<!tpu.dma_semaphore, #tpu.memory_space<semaphore_mem>>
            %dma_start3A_86 = arith.constant 0 : i32
            %dma_start3A_87 = arith.constant 0 : i32
            %dma_start3A_88 = tpu.memref_slice %arg16[%dma_start3A_86, %dma_start3A_87] : memref<10240x128xf32, #tpu.memory_space<vmem_shared>> -> memref<10240x128xf32, #tpu.memory_space<vmem_shared>>
            tpu.enqueue_indirect_dma source(%arg12 : memref<128x128xf32, #tpu.memory_space<vmem>>) target(%dma_start3A_88 : memref<10240x128xf32, #tpu.memory_space<vmem_shared>>) offsets(%arg11 : memref<128xi32, #tpu.memory_space<vmem>>) semaphore(%run_scoped3A : memref<!tpu.dma_semaphore, #tpu.memory_space<semaphore_mem>>) {add = true}
            %dma_wait3A_89 = arith.constant 0 : i32
            %dma_wait3A_90 = arith.constant 0 : i32
            %dma_wait3A_91 = tpu.memref_slice %arg16[%dma_wait3A_89, %dma_wait3A_90] : memref<10240x128xf32, #tpu.memory_space<vmem_shared>> -> memref<10240x128xf32, #tpu.memory_space<vmem_shared>>
            tpu.wait_indirect_dma semaphore(%run_scoped3A : memref<!tpu.dma_semaphore, #tpu.memory_space<semaphore_mem>>) src(%arg12 : memref<128x128xf32, #tpu.memory_space<vmem>>) dst(%dma_wait3A_91 : memref<10240x128xf32, #tpu.memory_space<vmem_shared>>)
            tpu.yield
          }) : () -> ()
          %dma_wait3A_83 = arith.constant 0 : i32
          %dma_wait3A_84 = arith.constant 0 : i32
          %dma_wait3A_85 = tpu.memref_slice %arg3[%dma_wait3A_83, %dma_wait3A_84] : memref<10000x128xf32, #tpu.memory_space<hbm>> -> memref<10000x128xf32, #tpu.memory_space<hbm>>
          tpu.wait_indirect_dma semaphore(%arg18 : memref<!tpu.dma_semaphore, #tpu.memory_space<semaphore_mem>>) src(%dma_wait3A_85 : memref<10000x128xf32, #tpu.memory_space<hbm>>) dst(%arg15 : memref<128x128xf32, #tpu.memory_space<vmem>>)
          "tpu.region"() ({
            %run_scoped3A = tpu.sem_alloc : memref<!tpu.dma_semaphore, #tpu.memory_space<semaphore_mem>>
            %dma_start3A_86 = arith.constant 0 : i32
            %dma_start3A_87 = arith.constant 0 : i32
            %dma_start3A_88 = tpu.memref_slice %arg16[%dma_start3A_86, %dma_start3A_87] : memref<10240x128xf32, #tpu.memory_space<vmem_shared>> -> memref<10240x128xf32, #tpu.memory_space<vmem_shared>>
            tpu.enqueue_indirect_dma source(%arg15 : memref<128x128xf32, #tpu.memory_space<vmem>>) target(%dma_start3A_88 : memref<10240x128xf32, #tpu.memory_space<vmem_shared>>) offsets(%arg14 : memref<128xi32, #tpu.memory_space<vmem>>) semaphore(%run_scoped3A : memref<!tpu.dma_semaphore, #tpu.memory_space<semaphore_mem>>) {add = true}
            %dma_wait3A_89 = arith.constant 0 : i32
            %dma_wait3A_90 = arith.constant 0 : i32
            %dma_wait3A_91 = tpu.memref_slice %arg16[%dma_wait3A_89, %dma_wait3A_90] : memref<10240x128xf32, #tpu.memory_space<vmem_shared>> -> memref<10240x128xf32, #tpu.memory_space<vmem_shared>>
            tpu.wait_indirect_dma semaphore(%run_scoped3A : memref<!tpu.dma_semaphore, #tpu.memory_space<semaphore_mem>>) src(%arg15 : memref<128x128xf32, #tpu.memory_space<vmem>>) dst(%dma_wait3A_91 : memref<10240x128xf32, #tpu.memory_space<vmem_shared>>)
            tpu.yield
          }) : () -> ()
        } else {
        }
        %ge3A = arith.constant 1250 : i32
        %ge3A_72 = arith.cmpi sge, %add3A_60, %ge3A : i32
        %convert_element_type3A_73 = arith.extui %ge3A_72 : i1 to i32
        %cond3A_74 = arith.constant 0 : i32
        %cond3A_75 = arith.cmpi ne, %convert_element_type3A_73, %cond3A_74 : i32
        scf.if %cond3A_75 {
          %dma_wait3A = arith.constant 0 : i32
          %dma_wait3A_76 = arith.constant 0 : i32
          %dma_wait3A_77 = tpu.memref_slice %arg3[%dma_wait3A, %dma_wait3A_76] : memref<10000x128xf32, #tpu.memory_space<hbm>> -> memref<10000x128xf32, #tpu.memory_space<hbm>>
          tpu.wait_indirect_dma semaphore(%arg17 : memref<!tpu.dma_semaphore, #tpu.memory_space<semaphore_mem>>) src(%dma_wait3A_77 : memref<10000x128xf32, #tpu.memory_space<hbm>>) dst(%arg12 : memref<128x128xf32, #tpu.memory_space<vmem>>)
          "tpu.region"() ({
            %run_scoped3A = tpu.sem_alloc : memref<!tpu.dma_semaphore, #tpu.memory_space<semaphore_mem>>
            %dma_start3A_78 = arith.constant 0 : i32
            %dma_start3A_79 = arith.constant 0 : i32
            %dma_start3A_80 = tpu.memref_slice %arg16[%dma_start3A_78, %dma_start3A_79] : memref<10240x128xf32, #tpu.memory_space<vmem_shared>> -> memref<10240x128xf32, #tpu.memory_space<vmem_shared>>
            tpu.enqueue_indirect_dma source(%arg12 : memref<128x128xf32, #tpu.memory_space<vmem>>) target(%dma_start3A_80 : memref<10240x128xf32, #tpu.memory_space<vmem_shared>>) offsets(%arg11 : memref<128xi32, #tpu.memory_space<vmem>>) semaphore(%run_scoped3A : memref<!tpu.dma_semaphore, #tpu.memory_space<semaphore_mem>>) {add = true}
            %dma_wait3A_81 = arith.constant 0 : i32
            %dma_wait3A_82 = arith.constant 0 : i32
            %dma_wait3A_83 = tpu.memref_slice %arg16[%dma_wait3A_81, %dma_wait3A_82] : memref<10240x128xf32, #tpu.memory_space<vmem_shared>> -> memref<10240x128xf32, #tpu.memory_space<vmem_shared>>
            tpu.wait_indirect_dma semaphore(%run_scoped3A : memref<!tpu.dma_semaphore, #tpu.memory_space<semaphore_mem>>) src(%arg12 : memref<128x128xf32, #tpu.memory_space<vmem>>) dst(%dma_wait3A_83 : memref<10240x128xf32, #tpu.memory_space<vmem_shared>>)
            tpu.yield
          }) : () -> ()
        } else {
        }
      } else {
      }
    }
    %scan3A_23 = arith.constant 20 : i32
    %barrier3A_24 = arith.constant 0 : index
    tpu.barrier barrier_id(%barrier3A_24)
    %mul3A_25 = arith.constant 10240 : i32
    %mul3A_26 = arith.muli %arg0, %mul3A_25 : i32
    %add3A_27 = arith.addi %mul3A_26, %mul3A_2 : i32
    %add3A_28 = arith.constant 0 : i32
    %add3A_29 = arith.addi %mul3A_2, %add3A_28 : i32
    "tpu.region"() ({
      %run_scoped3A = tpu.sem_alloc : memref<!tpu.dma_semaphore, #tpu.memory_space<semaphore_mem>>
      %dma_start3A = arith.constant 0 : i32
      %dma_start3A_48 = tpu.memref_slice %arg16[%add3A_29, %dma_start3A] : memref<10240x128xf32, #tpu.memory_space<vmem_shared>> -> memref<128x128xf32, #tpu.memory_space<vmem_shared>>
      %dma_start3A_49 = arith.constant 0 : i32
      %dma_start3A_50 = tpu.memref_slice %arg16[%add3A_29, %dma_start3A_49] : memref<10240x128xf32, #tpu.memory_space<vmem_shared>> -> memref<128x128xf32, #tpu.memory_space<vmem_shared>>
      tpu.enqueue_dma source(%dma_start3A_50 : memref<128x128xf32, #tpu.memory_space<vmem_shared>>) target(%arg12 : memref<128x128xf32, #tpu.memory_space<vmem>>) target_semaphore(%run_scoped3A : memref<!tpu.dma_semaphore, #tpu.memory_space<semaphore_mem>>)
      %dma_wait3A = arith.constant 0 : i32
      %dma_wait3A_51 = tpu.memref_slice %arg16[%add3A_29, %dma_wait3A] : memref<10240x128xf32, #tpu.memory_space<vmem_shared>> -> memref<128x128xf32, #tpu.memory_space<vmem_shared>>
      %dma_wait3A_52 = arith.constant 0 : i32
      %dma_wait3A_53 = tpu.memref_slice %arg16[%add3A_29, %dma_wait3A_52] : memref<10240x128xf32, #tpu.memory_space<vmem_shared>> -> memref<128x128xf32, #tpu.memory_space<vmem_shared>>
      tpu.wait_dma2 semaphore(%run_scoped3A : memref<!tpu.dma_semaphore, #tpu.memory_space<semaphore_mem>>) src(%dma_wait3A_53 : memref<128x128xf32, #tpu.memory_space<vmem_shared>>) dst(%arg12 : memref<128x128xf32, #tpu.memory_space<vmem>>)
      tpu.yield
    }) : () -> ()
    %add3A_30 = arith.constant 0 : i32
    %add3A_31 = arith.addi %add3A_27, %add3A_30 : i32
    "tpu.region"() ({
      %run_scoped3A = tpu.sem_alloc : memref<!tpu.dma_semaphore, #tpu.memory_space<semaphore_mem>>
      %dma_start3A = arith.constant 0 : i32
      %dma_start3A_48 = tpu.memref_slice %arg9[%add3A_31, %dma_start3A] : memref<20480x128xf32, #tpu.memory_space<hbm>> -> memref<128x128xf32, #tpu.memory_space<hbm>>
      %dma_start3A_49 = arith.constant 0 : i32
      %dma_start3A_50 = tpu.memref_slice %arg9[%add3A_31, %dma_start3A_49] : memref<20480x128xf32, #tpu.memory_space<hbm>> -> memref<128x128xf32, #tpu.memory_space<hbm>>
      tpu.enqueue_dma source(%arg12 : memref<128x128xf32, #tpu.memory_space<vmem>>) target(%dma_start3A_50 : memref<128x128xf32, #tpu.memory_space<hbm>>) target_semaphore(%run_scoped3A : memref<!tpu.dma_semaphore, #tpu.memory_space<semaphore_mem>>)
      %dma_wait3A = arith.constant 0 : i32
      %dma_wait3A_51 = tpu.memref_slice %arg9[%add3A_31, %dma_wait3A] : memref<20480x128xf32, #tpu.memory_space<hbm>> -> memref<128x128xf32, #tpu.memory_space<hbm>>
      %dma_wait3A_52 = arith.constant 0 : i32
      %dma_wait3A_53 = tpu.memref_slice %arg9[%add3A_31, %dma_wait3A_52] : memref<20480x128xf32, #tpu.memory_space<hbm>> -> memref<128x128xf32, #tpu.memory_space<hbm>>
      tpu.wait_dma2 semaphore(%run_scoped3A : memref<!tpu.dma_semaphore, #tpu.memory_space<semaphore_mem>>) src(%arg12 : memref<128x128xf32, #tpu.memory_space<vmem>>) dst(%dma_wait3A_53 : memref<128x128xf32, #tpu.memory_space<hbm>>)
      tpu.yield
    }) : () -> ()
    %add3A_32 = arith.constant 128 : i32
    %add3A_33 = arith.addi %mul3A_2, %add3A_32 : i32
    "tpu.region"() ({
      %run_scoped3A = tpu.sem_alloc : memref<!tpu.dma_semaphore, #tpu.memory_space<semaphore_mem>>
      %dma_start3A = arith.constant 0 : i32
      %dma_start3A_48 = tpu.memref_slice %arg16[%add3A_33, %dma_start3A] : memref<10240x128xf32, #tpu.memory_space<vmem_shared>> -> memref<128x128xf32, #tpu.memory_space<vmem_shared>>
      %dma_start3A_49 = arith.constant 0 : i32
      %dma_start3A_50 = tpu.memref_slice %arg16[%add3A_33, %dma_start3A_49] : memref<10240x128xf32, #tpu.memory_space<vmem_shared>> -> memref<128x128xf32, #tpu.memory_space<vmem_shared>>
      tpu.enqueue_dma source(%dma_start3A_50 : memref<128x128xf32, #tpu.memory_space<vmem_shared>>) target(%arg12 : memref<128x128xf32, #tpu.memory_space<vmem>>) target_semaphore(%run_scoped3A : memref<!tpu.dma_semaphore, #tpu.memory_space<semaphore_mem>>)
      %dma_wait3A = arith.constant 0 : i32
      %dma_wait3A_51 = tpu.memref_slice %arg16[%add3A_33, %dma_wait3A] : memref<10240x128xf32, #tpu.memory_space<vmem_shared>> -> memref<128x128xf32, #tpu.memory_space<vmem_shared>>
      %dma_wait3A_52 = arith.constant 0 : i32
      %dma_wait3A_53 = tpu.memref_slice %arg16[%add3A_33, %dma_wait3A_52] : memref<10240x128xf32, #tpu.memory_space<vmem_shared>> -> memref<128x128xf32, #tpu.memory_space<vmem_shared>>
      tpu.wait_dma2 semaphore(%run_scoped3A : memref<!tpu.dma_semaphore, #tpu.memory_space<semaphore_mem>>) src(%dma_wait3A_53 : memref<128x128xf32, #tpu.memory_space<vmem_shared>>) dst(%arg12 : memref<128x128xf32, #tpu.memory_space<vmem>>)
      tpu.yield
    }) : () -> ()
    %add3A_34 = arith.constant 128 : i32
    %add3A_35 = arith.addi %add3A_27, %add3A_34 : i32
    "tpu.region"() ({
      %run_scoped3A = tpu.sem_alloc : memref<!tpu.dma_semaphore, #tpu.memory_space<semaphore_mem>>
      %dma_start3A = arith.constant 0 : i32
      %dma_start3A_48 = tpu.memref_slice %arg9[%add3A_35, %dma_start3A] : memref<20480x128xf32, #tpu.memory_space<hbm>> -> memref<128x128xf32, #tpu.memory_space<hbm>>
      %dma_start3A_49 = arith.constant 0 : i32
      %dma_start3A_50 = tpu.memref_slice %arg9[%add3A_35, %dma_start3A_49] : memref<20480x128xf32, #tpu.memory_space<hbm>> -> memref<128x128xf32, #tpu.memory_space<hbm>>
      tpu.enqueue_dma source(%arg12 : memref<128x128xf32, #tpu.memory_space<vmem>>) target(%dma_start3A_50 : memref<128x128xf32, #tpu.memory_space<hbm>>) target_semaphore(%run_scoped3A : memref<!tpu.dma_semaphore, #tpu.memory_space<semaphore_mem>>)
      %dma_wait3A = arith.constant 0 : i32
      %dma_wait3A_51 = tpu.memref_slice %arg9[%add3A_35, %dma_wait3A] : memref<20480x128xf32, #tpu.memory_space<hbm>> -> memref<128x128xf32, #tpu.memory_space<hbm>>
      %dma_wait3A_52 = arith.constant 0 : i32
      %dma_wait3A_53 = tpu.memref_slice %arg9[%add3A_35, %dma_wait3A_52] : memref<20480x128xf32, #tpu.memory_space<hbm>> -> memref<128x128xf32, #tpu.memory_space<hbm>>
      tpu.wait_dma2 semaphore(%run_scoped3A : memref<!tpu.dma_semaphore, #tpu.memory_space<semaphore_mem>>) src(%arg12 : memref<128x128xf32, #tpu.memory_space<vmem>>) dst(%dma_wait3A_53 : memref<128x128xf32, #tpu.memory_space<hbm>>)
      tpu.yield
    }) : () -> ()
    %add3A_36 = arith.constant 256 : i32
    %add3A_37 = arith.addi %mul3A_2, %add3A_36 : i32
    "tpu.region"() ({
      %run_scoped3A = tpu.sem_alloc : memref<!tpu.dma_semaphore, #tpu.memory_space<semaphore_mem>>
      %dma_start3A = arith.constant 0 : i32
      %dma_start3A_48 = tpu.memref_slice %arg16[%add3A_37, %dma_start3A] : memref<10240x128xf32, #tpu.memory_space<vmem_shared>> -> memref<128x128xf32, #tpu.memory_space<vmem_shared>>
      %dma_start3A_49 = arith.constant 0 : i32
      %dma_start3A_50 = tpu.memref_slice %arg16[%add3A_37, %dma_start3A_49] : memref<10240x128xf32, #tpu.memory_space<vmem_shared>> -> memref<128x128xf32, #tpu.memory_space<vmem_shared>>
      tpu.enqueue_dma source(%dma_start3A_50 : memref<128x128xf32, #tpu.memory_space<vmem_shared>>) target(%arg12 : memref<128x128xf32, #tpu.memory_space<vmem>>) target_semaphore(%run_scoped3A : memref<!tpu.dma_semaphore, #tpu.memory_space<semaphore_mem>>)
      %dma_wait3A = arith.constant 0 : i32
      %dma_wait3A_51 = tpu.memref_slice %arg16[%add3A_37, %dma_wait3A] : memref<10240x128xf32, #tpu.memory_space<vmem_shared>> -> memref<128x128xf32, #tpu.memory_space<vmem_shared>>
      %dma_wait3A_52 = arith.constant 0 : i32
      %dma_wait3A_53 = tpu.memref_slice %arg16[%add3A_37, %dma_wait3A_52] : memref<10240x128xf32, #tpu.memory_space<vmem_shared>> -> memref<128x128xf32, #tpu.memory_space<vmem_shared>>
      tpu.wait_dma2 semaphore(%run_scoped3A : memref<!tpu.dma_semaphore, #tpu.memory_space<semaphore_mem>>) src(%dma_wait3A_53 : memref<128x128xf32, #tpu.memory_space<vmem_shared>>) dst(%arg12 : memref<128x128xf32, #tpu.memory_space<vmem>>)
      tpu.yield
    }) : () -> ()
    %add3A_38 = arith.constant 256 : i32
    %add3A_39 = arith.addi %add3A_27, %add3A_38 : i32
    "tpu.region"() ({
      %run_scoped3A = tpu.sem_alloc : memref<!tpu.dma_semaphore, #tpu.memory_space<semaphore_mem>>
      %dma_start3A = arith.constant 0 : i32
      %dma_start3A_48 = tpu.memref_slice %arg9[%add3A_39, %dma_start3A] : memref<20480x128xf32, #tpu.memory_space<hbm>> -> memref<128x128xf32, #tpu.memory_space<hbm>>
      %dma_start3A_49 = arith.constant 0 : i32
      %dma_start3A_50 = tpu.memref_slice %arg9[%add3A_39, %dma_start3A_49] : memref<20480x128xf32, #tpu.memory_space<hbm>> -> memref<128x128xf32, #tpu.memory_space<hbm>>
      tpu.enqueue_dma source(%arg12 : memref<128x128xf32, #tpu.memory_space<vmem>>) target(%dma_start3A_50 : memref<128x128xf32, #tpu.memory_space<hbm>>) target_semaphore(%run_scoped3A : memref<!tpu.dma_semaphore, #tpu.memory_space<semaphore_mem>>)
      %dma_wait3A = arith.constant 0 : i32
      %dma_wait3A_51 = tpu.memref_slice %arg9[%add3A_39, %dma_wait3A] : memref<20480x128xf32, #tpu.memory_space<hbm>> -> memref<128x128xf32, #tpu.memory_space<hbm>>
      %dma_wait3A_52 = arith.constant 0 : i32
      %dma_wait3A_53 = tpu.memref_slice %arg9[%add3A_39, %dma_wait3A_52] : memref<20480x128xf32, #tpu.memory_space<hbm>> -> memref<128x128xf32, #tpu.memory_space<hbm>>
      tpu.wait_dma2 semaphore(%run_scoped3A : memref<!tpu.dma_semaphore, #tpu.memory_space<semaphore_mem>>) src(%arg12 : memref<128x128xf32, #tpu.memory_space<vmem>>) dst(%dma_wait3A_53 : memref<128x128xf32, #tpu.memory_space<hbm>>)
      tpu.yield
    }) : () -> ()
    %add3A_40 = arith.constant 384 : i32
    %add3A_41 = arith.addi %mul3A_2, %add3A_40 : i32
    "tpu.region"() ({
      %run_scoped3A = tpu.sem_alloc : memref<!tpu.dma_semaphore, #tpu.memory_space<semaphore_mem>>
      %dma_start3A = arith.constant 0 : i32
      %dma_start3A_48 = tpu.memref_slice %arg16[%add3A_41, %dma_start3A] : memref<10240x128xf32, #tpu.memory_space<vmem_shared>> -> memref<128x128xf32, #tpu.memory_space<vmem_shared>>
      %dma_start3A_49 = arith.constant 0 : i32
      %dma_start3A_50 = tpu.memref_slice %arg16[%add3A_41, %dma_start3A_49] : memref<10240x128xf32, #tpu.memory_space<vmem_shared>> -> memref<128x128xf32, #tpu.memory_space<vmem_shared>>
      tpu.enqueue_dma source(%dma_start3A_50 : memref<128x128xf32, #tpu.memory_space<vmem_shared>>) target(%arg12 : memref<128x128xf32, #tpu.memory_space<vmem>>) target_semaphore(%run_scoped3A : memref<!tpu.dma_semaphore, #tpu.memory_space<semaphore_mem>>)
      %dma_wait3A = arith.constant 0 : i32
      %dma_wait3A_51 = tpu.memref_slice %arg16[%add3A_41, %dma_wait3A] : memref<10240x128xf32, #tpu.memory_space<vmem_shared>> -> memref<128x128xf32, #tpu.memory_space<vmem_shared>>
      %dma_wait3A_52 = arith.constant 0 : i32
      %dma_wait3A_53 = tpu.memref_slice %arg16[%add3A_41, %dma_wait3A_52] : memref<10240x128xf32, #tpu.memory_space<vmem_shared>> -> memref<128x128xf32, #tpu.memory_space<vmem_shared>>
      tpu.wait_dma2 semaphore(%run_scoped3A : memref<!tpu.dma_semaphore, #tpu.memory_space<semaphore_mem>>) src(%dma_wait3A_53 : memref<128x128xf32, #tpu.memory_space<vmem_shared>>) dst(%arg12 : memref<128x128xf32, #tpu.memory_space<vmem>>)
      tpu.yield
    }) : () -> ()
    %add3A_42 = arith.constant 384 : i32
    %add3A_43 = arith.addi %add3A_27, %add3A_42 : i32
    "tpu.region"() ({
      %run_scoped3A = tpu.sem_alloc : memref<!tpu.dma_semaphore, #tpu.memory_space<semaphore_mem>>
      %dma_start3A = arith.constant 0 : i32
      %dma_start3A_48 = tpu.memref_slice %arg9[%add3A_43, %dma_start3A] : memref<20480x128xf32, #tpu.memory_space<hbm>> -> memref<128x128xf32, #tpu.memory_space<hbm>>
      %dma_start3A_49 = arith.constant 0 : i32
      %dma_start3A_50 = tpu.memref_slice %arg9[%add3A_43, %dma_start3A_49] : memref<20480x128xf32, #tpu.memory_space<hbm>> -> memref<128x128xf32, #tpu.memory_space<hbm>>
      tpu.enqueue_dma source(%arg12 : memref<128x128xf32, #tpu.memory_space<vmem>>) target(%dma_start3A_50 : memref<128x128xf32, #tpu.memory_space<hbm>>) target_semaphore(%run_scoped3A : memref<!tpu.dma_semaphore, #tpu.memory_space<semaphore_mem>>)
      %dma_wait3A = arith.constant 0 : i32
      %dma_wait3A_51 = tpu.memref_slice %arg9[%add3A_43, %dma_wait3A] : memref<20480x128xf32, #tpu.memory_space<hbm>> -> memref<128x128xf32, #tpu.memory_space<hbm>>
      %dma_wait3A_52 = arith.constant 0 : i32
      %dma_wait3A_53 = tpu.memref_slice %arg9[%add3A_43, %dma_wait3A_52] : memref<20480x128xf32, #tpu.memory_space<hbm>> -> memref<128x128xf32, #tpu.memory_space<hbm>>
      tpu.wait_dma2 semaphore(%run_scoped3A : memref<!tpu.dma_semaphore, #tpu.memory_space<semaphore_mem>>) src(%arg12 : memref<128x128xf32, #tpu.memory_space<vmem>>) dst(%dma_wait3A_53 : memref<128x128xf32, #tpu.memory_space<hbm>>)
      tpu.yield
    }) : () -> ()
    %add3A_44 = arith.constant 512 : i32
    %add3A_45 = arith.addi %mul3A_2, %add3A_44 : i32
    "tpu.region"() ({
      %run_scoped3A = tpu.sem_alloc : memref<!tpu.dma_semaphore, #tpu.memory_space<semaphore_mem>>
      %dma_start3A = arith.constant 0 : i32
      %dma_start3A_48 = tpu.memref_slice %arg16[%add3A_45, %dma_start3A] : memref<10240x128xf32, #tpu.memory_space<vmem_shared>> -> memref<128x128xf32, #tpu.memory_space<vmem_shared>>
      %dma_start3A_49 = arith.constant 0 : i32
      %dma_start3A_50 = tpu.memref_slice %arg16[%add3A_45, %dma_start3A_49] : memref<10240x128xf32, #tpu.memory_space<vmem_shared>> -> memref<128x128xf32, #tpu.memory_space<vmem_shared>>
      tpu.enqueue_dma source(%dma_start3A_50 : memref<128x128xf32, #tpu.memory_space<vmem_shared>>) target(%arg12 : memref<128x128xf32, #tpu.memory_space<vmem>>) target_semaphore(%run_scoped3A : memref<!tpu.dma_semaphore, #tpu.memory_space<semaphore_mem>>)
      %dma_wait3A = arith.constant 0 : i32
      %dma_wait3A_51 = tpu.memref_slice %arg16[%add3A_45, %dma_wait3A] : memref<10240x128xf32, #tpu.memory_space<vmem_shared>> -> memref<128x128xf32, #tpu.memory_space<vmem_shared>>
      %dma_wait3A_52 = arith.constant 0 : i32
      %dma_wait3A_53 = tpu.memref_slice %arg16[%add3A_45, %dma_wait3A_52] : memref<10240x128xf32, #tpu.memory_space<vmem_shared>> -> memref<128x128xf32, #tpu.memory_space<vmem_shared>>
      tpu.wait_dma2 semaphore(%run_scoped3A : memref<!tpu.dma_semaphore, #tpu.memory_space<semaphore_mem>>) src(%dma_wait3A_53 : memref<128x128xf32, #tpu.memory_space<vmem_shared>>) dst(%arg12 : memref<128x128xf32, #tpu.memory_space<vmem>>)
      tpu.yield
    }) : () -> ()
    %add3A_46 = arith.constant 512 : i32
    %add3A_47 = arith.addi %add3A_27, %add3A_46 : i32
    "tpu.region"() ({
      %run_scoped3A = tpu.sem_alloc : memref<!tpu.dma_semaphore, #tpu.memory_space<semaphore_mem>>
      %dma_start3A = arith.constant 0 : i32
      %dma_start3A_48 = tpu.memref_slice %arg9[%add3A_47, %dma_start3A] : memref<20480x128xf32, #tpu.memory_space<hbm>> -> memref<128x128xf32, #tpu.memory_space<hbm>>
      %dma_start3A_49 = arith.constant 0 : i32
      %dma_start3A_50 = tpu.memref_slice %arg9[%add3A_47, %dma_start3A_49] : memref<20480x128xf32, #tpu.memory_space<hbm>> -> memref<128x128xf32, #tpu.memory_space<hbm>>
      tpu.enqueue_dma source(%arg12 : memref<128x128xf32, #tpu.memory_space<vmem>>) target(%dma_start3A_50 : memref<128x128xf32, #tpu.memory_space<hbm>>) target_semaphore(%run_scoped3A : memref<!tpu.dma_semaphore, #tpu.memory_space<semaphore_mem>>)
      %dma_wait3A = arith.constant 0 : i32
      %dma_wait3A_51 = tpu.memref_slice %arg9[%add3A_47, %dma_wait3A] : memref<20480x128xf32, #tpu.memory_space<hbm>> -> memref<128x128xf32, #tpu.memory_space<hbm>>
      %dma_wait3A_52 = arith.constant 0 : i32
      %dma_wait3A_53 = tpu.memref_slice %arg9[%add3A_47, %dma_wait3A_52] : memref<20480x128xf32, #tpu.memory_space<hbm>> -> memref<128x128xf32, #tpu.memory_space<hbm>>
      tpu.wait_dma2 semaphore(%run_scoped3A : memref<!tpu.dma_semaphore, #tpu.memory_space<semaphore_mem>>) src(%arg12 : memref<128x128xf32, #tpu.memory_space<vmem>>) dst(%dma_wait3A_53 : memref<128x128xf32, #tpu.memory_space<hbm>>)
      tpu.yield
    }) : () -> ()
    return
  }
}

#map = affine_map<(d0, d1) -> (0, 0)>
#map1 = affine_map<(d0, d1) -> (0)>
module attributes {stable_mosaic.version = 14 : i64} {
  func.func @_f_body(%arg0: i32, %arg1: i32, %arg2: memref<160000x128xf32, #tpu.memory_space<hbm>>, %arg3: memref<160000xi32, #tpu.memory_space<hbm>>, %arg4: memref<160000x128xf32, #tpu.memory_space<hbm>>, %arg5: memref<160000xi32, #tpu.memory_space<hbm>>, %arg6: memref<128x128xf32, #tpu.memory_space<hbm>>, %arg7: memref<20480x128xf32, #tpu.memory_space<hbm>>, %arg8: memref<128xi32, #tpu.memory_space<vmem>>, %arg9: memref<128x128xf32, #tpu.memory_space<vmem>>, %arg10: memref<128xi32, #tpu.memory_space<vmem>>, %arg11: memref<128x128xf32, #tpu.memory_space<vmem>>, %arg12: memref<10240x128xf32, #tpu.memory_space<vmem_shared>>, %arg13: memref<!tpu.dma_semaphore, #tpu.memory_space<semaphore_mem>>, %arg14: memref<!tpu.dma_semaphore, #tpu.memory_space<semaphore_mem>>) attributes {dimension_semantics = [#tpu.dimension_semantics<core_parallel>, #tpu.dimension_semantics<subcore_parallel>], iteration_bounds = array<i64: 2, 16>, scalar_prefetch = 0 : i64, scratch_operands = 7 : i64, tpu.core_type = #tpu.core_type<sc_vector_subcore>, window_params = [{transform_indices = #map}, {transform_indices = #map1}, {transform_indices = #map}, {transform_indices = #map1}, {transform_indices = #map}, {transform_indices = #map}]} {
    %mul3A = arith.constant 2 : i32
    %mul3A_0 = arith.muli %arg1, %mul3A : i32
    %add3A = arith.addi %mul3A_0, %arg0 : i32
    %mul3A_1 = arith.constant 640 : i32
    %mul3A_2 = arith.muli %arg1, %mul3A_1 : i32
    "tpu.region"() ({
      %run_scoped3A = tpu.sem_alloc : memref<!tpu.dma_semaphore, #tpu.memory_space<semaphore_mem>>
      tpu.enqueue_dma source(%arg6 : memref<128x128xf32, #tpu.memory_space<hbm>>) target(%arg9 : memref<128x128xf32, #tpu.memory_space<vmem>>) target_semaphore(%run_scoped3A : memref<!tpu.dma_semaphore, #tpu.memory_space<semaphore_mem>>)
      tpu.wait_dma2 semaphore(%run_scoped3A : memref<!tpu.dma_semaphore, #tpu.memory_space<semaphore_mem>>) src(%arg6 : memref<128x128xf32, #tpu.memory_space<hbm>>) dst(%arg9 : memref<128x128xf32, #tpu.memory_space<vmem>>)
      tpu.yield
    }) : () -> ()
    %add3A_3 = arith.constant 0 : i32
    %add3A_4 = arith.addi %mul3A_2, %add3A_3 : i32
    "tpu.region"() ({
      %run_scoped3A = tpu.sem_alloc : memref<!tpu.dma_semaphore, #tpu.memory_space<semaphore_mem>>
      %dma_start3A = arith.constant 0 : i32
      %dma_start3A_48 = tpu.memref_slice %arg12[%add3A_4, %dma_start3A] : memref<10240x128xf32, #tpu.memory_space<vmem_shared>> -> memref<128x128xf32, #tpu.memory_space<vmem_shared>>
      %dma_start3A_49 = arith.constant 0 : i32
      %dma_start3A_50 = tpu.memref_slice %arg12[%add3A_4, %dma_start3A_49] : memref<10240x128xf32, #tpu.memory_space<vmem_shared>> -> memref<128x128xf32, #tpu.memory_space<vmem_shared>>
      tpu.enqueue_dma source(%arg9 : memref<128x128xf32, #tpu.memory_space<vmem>>) target(%dma_start3A_50 : memref<128x128xf32, #tpu.memory_space<vmem_shared>>) target_semaphore(%run_scoped3A : memref<!tpu.dma_semaphore, #tpu.memory_space<semaphore_mem>>)
      %dma_wait3A = arith.constant 0 : i32
      %dma_wait3A_51 = tpu.memref_slice %arg12[%add3A_4, %dma_wait3A] : memref<10240x128xf32, #tpu.memory_space<vmem_shared>> -> memref<128x128xf32, #tpu.memory_space<vmem_shared>>
      %dma_wait3A_52 = arith.constant 0 : i32
      %dma_wait3A_53 = tpu.memref_slice %arg12[%add3A_4, %dma_wait3A_52] : memref<10240x128xf32, #tpu.memory_space<vmem_shared>> -> memref<128x128xf32, #tpu.memory_space<vmem_shared>>
      tpu.wait_dma2 semaphore(%run_scoped3A : memref<!tpu.dma_semaphore, #tpu.memory_space<semaphore_mem>>) src(%arg9 : memref<128x128xf32, #tpu.memory_space<vmem>>) dst(%dma_wait3A_53 : memref<128x128xf32, #tpu.memory_space<vmem_shared>>)
      tpu.yield
    }) : () -> ()
    %add3A_5 = arith.constant 128 : i32
    %add3A_6 = arith.addi %mul3A_2, %add3A_5 : i32
    "tpu.region"() ({
      %run_scoped3A = tpu.sem_alloc : memref<!tpu.dma_semaphore, #tpu.memory_space<semaphore_mem>>
      %dma_start3A = arith.constant 0 : i32
      %dma_start3A_48 = tpu.memref_slice %arg12[%add3A_6, %dma_start3A] : memref<10240x128xf32, #tpu.memory_space<vmem_shared>> -> memref<128x128xf32, #tpu.memory_space<vmem_shared>>
      %dma_start3A_49 = arith.constant 0 : i32
      %dma_start3A_50 = tpu.memref_slice %arg12[%add3A_6, %dma_start3A_49] : memref<10240x128xf32, #tpu.memory_space<vmem_shared>> -> memref<128x128xf32, #tpu.memory_space<vmem_shared>>
      tpu.enqueue_dma source(%arg9 : memref<128x128xf32, #tpu.memory_space<vmem>>) target(%dma_start3A_50 : memref<128x128xf32, #tpu.memory_space<vmem_shared>>) target_semaphore(%run_scoped3A : memref<!tpu.dma_semaphore, #tpu.memory_space<semaphore_mem>>)
      %dma_wait3A = arith.constant 0 : i32
      %dma_wait3A_51 = tpu.memref_slice %arg12[%add3A_6, %dma_wait3A] : memref<10240x128xf32, #tpu.memory_space<vmem_shared>> -> memref<128x128xf32, #tpu.memory_space<vmem_shared>>
      %dma_wait3A_52 = arith.constant 0 : i32
      %dma_wait3A_53 = tpu.memref_slice %arg12[%add3A_6, %dma_wait3A_52] : memref<10240x128xf32, #tpu.memory_space<vmem_shared>> -> memref<128x128xf32, #tpu.memory_space<vmem_shared>>
      tpu.wait_dma2 semaphore(%run_scoped3A : memref<!tpu.dma_semaphore, #tpu.memory_space<semaphore_mem>>) src(%arg9 : memref<128x128xf32, #tpu.memory_space<vmem>>) dst(%dma_wait3A_53 : memref<128x128xf32, #tpu.memory_space<vmem_shared>>)
      tpu.yield
    }) : () -> ()
    %add3A_7 = arith.constant 256 : i32
    %add3A_8 = arith.addi %mul3A_2, %add3A_7 : i32
    "tpu.region"() ({
      %run_scoped3A = tpu.sem_alloc : memref<!tpu.dma_semaphore, #tpu.memory_space<semaphore_mem>>
      %dma_start3A = arith.constant 0 : i32
      %dma_start3A_48 = tpu.memref_slice %arg12[%add3A_8, %dma_start3A] : memref<10240x128xf32, #tpu.memory_space<vmem_shared>> -> memref<128x128xf32, #tpu.memory_space<vmem_shared>>
      %dma_start3A_49 = arith.constant 0 : i32
      %dma_start3A_50 = tpu.memref_slice %arg12[%add3A_8, %dma_start3A_49] : memref<10240x128xf32, #tpu.memory_space<vmem_shared>> -> memref<128x128xf32, #tpu.memory_space<vmem_shared>>
      tpu.enqueue_dma source(%arg9 : memref<128x128xf32, #tpu.memory_space<vmem>>) target(%dma_start3A_50 : memref<128x128xf32, #tpu.memory_space<vmem_shared>>) target_semaphore(%run_scoped3A : memref<!tpu.dma_semaphore, #tpu.memory_space<semaphore_mem>>)
      %dma_wait3A = arith.constant 0 : i32
      %dma_wait3A_51 = tpu.memref_slice %arg12[%add3A_8, %dma_wait3A] : memref<10240x128xf32, #tpu.memory_space<vmem_shared>> -> memref<128x128xf32, #tpu.memory_space<vmem_shared>>
      %dma_wait3A_52 = arith.constant 0 : i32
      %dma_wait3A_53 = tpu.memref_slice %arg12[%add3A_8, %dma_wait3A_52] : memref<10240x128xf32, #tpu.memory_space<vmem_shared>> -> memref<128x128xf32, #tpu.memory_space<vmem_shared>>
      tpu.wait_dma2 semaphore(%run_scoped3A : memref<!tpu.dma_semaphore, #tpu.memory_space<semaphore_mem>>) src(%arg9 : memref<128x128xf32, #tpu.memory_space<vmem>>) dst(%dma_wait3A_53 : memref<128x128xf32, #tpu.memory_space<vmem_shared>>)
      tpu.yield
    }) : () -> ()
    %add3A_9 = arith.constant 384 : i32
    %add3A_10 = arith.addi %mul3A_2, %add3A_9 : i32
    "tpu.region"() ({
      %run_scoped3A = tpu.sem_alloc : memref<!tpu.dma_semaphore, #tpu.memory_space<semaphore_mem>>
      %dma_start3A = arith.constant 0 : i32
      %dma_start3A_48 = tpu.memref_slice %arg12[%add3A_10, %dma_start3A] : memref<10240x128xf32, #tpu.memory_space<vmem_shared>> -> memref<128x128xf32, #tpu.memory_space<vmem_shared>>
      %dma_start3A_49 = arith.constant 0 : i32
      %dma_start3A_50 = tpu.memref_slice %arg12[%add3A_10, %dma_start3A_49] : memref<10240x128xf32, #tpu.memory_space<vmem_shared>> -> memref<128x128xf32, #tpu.memory_space<vmem_shared>>
      tpu.enqueue_dma source(%arg9 : memref<128x128xf32, #tpu.memory_space<vmem>>) target(%dma_start3A_50 : memref<128x128xf32, #tpu.memory_space<vmem_shared>>) target_semaphore(%run_scoped3A : memref<!tpu.dma_semaphore, #tpu.memory_space<semaphore_mem>>)
      %dma_wait3A = arith.constant 0 : i32
      %dma_wait3A_51 = tpu.memref_slice %arg12[%add3A_10, %dma_wait3A] : memref<10240x128xf32, #tpu.memory_space<vmem_shared>> -> memref<128x128xf32, #tpu.memory_space<vmem_shared>>
      %dma_wait3A_52 = arith.constant 0 : i32
      %dma_wait3A_53 = tpu.memref_slice %arg12[%add3A_10, %dma_wait3A_52] : memref<10240x128xf32, #tpu.memory_space<vmem_shared>> -> memref<128x128xf32, #tpu.memory_space<vmem_shared>>
      tpu.wait_dma2 semaphore(%run_scoped3A : memref<!tpu.dma_semaphore, #tpu.memory_space<semaphore_mem>>) src(%arg9 : memref<128x128xf32, #tpu.memory_space<vmem>>) dst(%dma_wait3A_53 : memref<128x128xf32, #tpu.memory_space<vmem_shared>>)
      tpu.yield
    }) : () -> ()
    %add3A_11 = arith.constant 512 : i32
    %add3A_12 = arith.addi %mul3A_2, %add3A_11 : i32
    "tpu.region"() ({
      %run_scoped3A = tpu.sem_alloc : memref<!tpu.dma_semaphore, #tpu.memory_space<semaphore_mem>>
      %dma_start3A = arith.constant 0 : i32
      %dma_start3A_48 = tpu.memref_slice %arg12[%add3A_12, %dma_start3A] : memref<10240x128xf32, #tpu.memory_space<vmem_shared>> -> memref<128x128xf32, #tpu.memory_space<vmem_shared>>
      %dma_start3A_49 = arith.constant 0 : i32
      %dma_start3A_50 = tpu.memref_slice %arg12[%add3A_12, %dma_start3A_49] : memref<10240x128xf32, #tpu.memory_space<vmem_shared>> -> memref<128x128xf32, #tpu.memory_space<vmem_shared>>
      tpu.enqueue_dma source(%arg9 : memref<128x128xf32, #tpu.memory_space<vmem>>) target(%dma_start3A_50 : memref<128x128xf32, #tpu.memory_space<vmem_shared>>) target_semaphore(%run_scoped3A : memref<!tpu.dma_semaphore, #tpu.memory_space<semaphore_mem>>)
      %dma_wait3A = arith.constant 0 : i32
      %dma_wait3A_51 = tpu.memref_slice %arg12[%add3A_12, %dma_wait3A] : memref<10240x128xf32, #tpu.memory_space<vmem_shared>> -> memref<128x128xf32, #tpu.memory_space<vmem_shared>>
      %dma_wait3A_52 = arith.constant 0 : i32
      %dma_wait3A_53 = tpu.memref_slice %arg12[%add3A_12, %dma_wait3A_52] : memref<10240x128xf32, #tpu.memory_space<vmem_shared>> -> memref<128x128xf32, #tpu.memory_space<vmem_shared>>
      tpu.wait_dma2 semaphore(%run_scoped3A : memref<!tpu.dma_semaphore, #tpu.memory_space<semaphore_mem>>) src(%arg9 : memref<128x128xf32, #tpu.memory_space<vmem>>) dst(%dma_wait3A_53 : memref<128x128xf32, #tpu.memory_space<vmem_shared>>)
      tpu.yield
    }) : () -> ()
    %barrier3A = arith.constant 0 : index
    tpu.barrier barrier_id(%barrier3A)
    %scan3A = arith.constant 0 : i32
    %scan3A_13 = arith.constant 0 : i32
    %scan3A_14 = arith.constant 20 : i32
    %scan3A_15 = arith.addi %scan3A_13, %scan3A_14 : i32
    %scan3A_16 = arith.constant 1 : i32
    scf.for %scan3A_48 = %scan3A_13 to %scan3A_15 step %scan3A_16  : i32 {
      %mul3A_49 = arith.constant 2 : i32
      %mul3A_50 = arith.muli %mul3A_49, %scan3A_48 : i32
      %mul3A_51 = arith.constant 32 : i32
      %mul3A_52 = arith.muli %mul3A_50, %mul3A_51 : i32
      %add3A_53 = arith.addi %mul3A_52, %add3A : i32
      %mul3A_54 = arith.constant 2 : i32
      %mul3A_55 = arith.muli %mul3A_54, %scan3A_48 : i32
      %add3A_56 = arith.constant 1 : i32
      %add3A_57 = arith.addi %mul3A_55, %add3A_56 : i32
      %mul3A_58 = arith.constant 32 : i32
      %mul3A_59 = arith.muli %add3A_57, %mul3A_58 : i32
      %add3A_60 = arith.addi %mul3A_59, %add3A : i32
      %lt3A = arith.constant 1250 : i32
      %lt3A_61 = arith.cmpi slt, %add3A_53, %lt3A : i32
      %convert_element_type3A = arith.extui %lt3A_61 : i1 to i32
      %cond3A = arith.constant 0 : i32
      %cond3A_62 = arith.cmpi ne, %convert_element_type3A, %cond3A : i32
      scf.if %cond3A_62 {
        %mul3A_63 = arith.constant 128 : i32
        %mul3A_64 = arith.muli %add3A_53, %mul3A_63 : i32
        "tpu.region"() ({
          %run_scoped3A = tpu.sem_alloc : memref<!tpu.dma_semaphore, #tpu.memory_space<semaphore_mem>>
          %dma_start3A_77 = tpu.memref_slice %arg3[%mul3A_64] : memref<160000xi32, #tpu.memory_space<hbm>> -> memref<128xi32, #tpu.memory_space<hbm>>
          %dma_start3A_78 = tpu.memref_slice %arg3[%mul3A_64] : memref<160000xi32, #tpu.memory_space<hbm>> -> memref<128xi32, #tpu.memory_space<hbm>>
          tpu.enqueue_dma source(%dma_start3A_78 : memref<128xi32, #tpu.memory_space<hbm>>) target(%arg8 : memref<128xi32, #tpu.memory_space<vmem>>) target_semaphore(%run_scoped3A : memref<!tpu.dma_semaphore, #tpu.memory_space<semaphore_mem>>)
          %dma_wait3A = tpu.memref_slice %arg3[%mul3A_64] : memref<160000xi32, #tpu.memory_space<hbm>> -> memref<128xi32, #tpu.memory_space<hbm>>
          %dma_wait3A_79 = tpu.memref_slice %arg3[%mul3A_64] : memref<160000xi32, #tpu.memory_space<hbm>> -> memref<128xi32, #tpu.memory_space<hbm>>
          tpu.wait_dma2 semaphore(%run_scoped3A : memref<!tpu.dma_semaphore, #tpu.memory_space<semaphore_mem>>) src(%dma_wait3A_79 : memref<128xi32, #tpu.memory_space<hbm>>) dst(%arg8 : memref<128xi32, #tpu.memory_space<vmem>>)
          tpu.yield
        }) : () -> ()
        %dma_start3A = arith.constant 0 : i32
        %dma_start3A_65 = tpu.memref_slice %arg2[%mul3A_64, %dma_start3A] : memref<160000x128xf32, #tpu.memory_space<hbm>> -> memref<128x128xf32, #tpu.memory_space<hbm>>
        %dma_start3A_66 = arith.constant 0 : i32
        %dma_start3A_67 = tpu.memref_slice %arg2[%mul3A_64, %dma_start3A_66] : memref<160000x128xf32, #tpu.memory_space<hbm>> -> memref<128x128xf32, #tpu.memory_space<hbm>>
        tpu.enqueue_dma source(%dma_start3A_67 : memref<128x128xf32, #tpu.memory_space<hbm>>) target(%arg9 : memref<128x128xf32, #tpu.memory_space<vmem>>) target_semaphore(%arg13 : memref<!tpu.dma_semaphore, #tpu.memory_space<semaphore_mem>>)
        %lt3A_68 = arith.constant 1250 : i32
        %lt3A_69 = arith.cmpi slt, %add3A_60, %lt3A_68 : i32
        %convert_element_type3A_70 = arith.extui %lt3A_69 : i1 to i32
        %cond3A_71 = arith.constant 0 : i32
        %cond3A_72 = arith.cmpi ne, %convert_element_type3A_70, %cond3A_71 : i32
        scf.if %cond3A_72 {
          %mul3A_77 = arith.constant 128 : i32
          %mul3A_78 = arith.muli %add3A_60, %mul3A_77 : i32
          "tpu.region"() ({
            %run_scoped3A = tpu.sem_alloc : memref<!tpu.dma_semaphore, #tpu.memory_space<semaphore_mem>>
            %dma_start3A_90 = tpu.memref_slice %arg3[%mul3A_78] : memref<160000xi32, #tpu.memory_space<hbm>> -> memref<128xi32, #tpu.memory_space<hbm>>
            %dma_start3A_91 = tpu.memref_slice %arg3[%mul3A_78] : memref<160000xi32, #tpu.memory_space<hbm>> -> memref<128xi32, #tpu.memory_space<hbm>>
            tpu.enqueue_dma source(%dma_start3A_91 : memref<128xi32, #tpu.memory_space<hbm>>) target(%arg10 : memref<128xi32, #tpu.memory_space<vmem>>) target_semaphore(%run_scoped3A : memref<!tpu.dma_semaphore, #tpu.memory_space<semaphore_mem>>)
            %dma_wait3A_92 = tpu.memref_slice %arg3[%mul3A_78] : memref<160000xi32, #tpu.memory_space<hbm>> -> memref<128xi32, #tpu.memory_space<hbm>>
            %dma_wait3A_93 = tpu.memref_slice %arg3[%mul3A_78] : memref<160000xi32, #tpu.memory_space<hbm>> -> memref<128xi32, #tpu.memory_space<hbm>>
            tpu.wait_dma2 semaphore(%run_scoped3A : memref<!tpu.dma_semaphore, #tpu.memory_space<semaphore_mem>>) src(%dma_wait3A_93 : memref<128xi32, #tpu.memory_space<hbm>>) dst(%arg10 : memref<128xi32, #tpu.memory_space<vmem>>)
            tpu.yield
          }) : () -> ()
          %dma_start3A_79 = arith.constant 0 : i32
          %dma_start3A_80 = tpu.memref_slice %arg2[%mul3A_78, %dma_start3A_79] : memref<160000x128xf32, #tpu.memory_space<hbm>> -> memref<128x128xf32, #tpu.memory_space<hbm>>
          %dma_start3A_81 = arith.constant 0 : i32
          %dma_start3A_82 = tpu.memref_slice %arg2[%mul3A_78, %dma_start3A_81] : memref<160000x128xf32, #tpu.memory_space<hbm>> -> memref<128x128xf32, #tpu.memory_space<hbm>>
          tpu.enqueue_dma source(%dma_start3A_82 : memref<128x128xf32, #tpu.memory_space<hbm>>) target(%arg11 : memref<128x128xf32, #tpu.memory_space<vmem>>) target_semaphore(%arg14 : memref<!tpu.dma_semaphore, #tpu.memory_space<semaphore_mem>>)
          %dma_wait3A = arith.constant 0 : i32
          %dma_wait3A_83 = tpu.memref_slice %arg2[%mul3A_64, %dma_wait3A] : memref<160000x128xf32, #tpu.memory_space<hbm>> -> memref<128x128xf32, #tpu.memory_space<hbm>>
          %dma_wait3A_84 = arith.constant 0 : i32
          %dma_wait3A_85 = tpu.memref_slice %arg2[%mul3A_64, %dma_wait3A_84] : memref<160000x128xf32, #tpu.memory_space<hbm>> -> memref<128x128xf32, #tpu.memory_space<hbm>>
          tpu.wait_dma2 semaphore(%arg13 : memref<!tpu.dma_semaphore, #tpu.memory_space<semaphore_mem>>) src(%dma_wait3A_85 : memref<128x128xf32, #tpu.memory_space<hbm>>) dst(%arg9 : memref<128x128xf32, #tpu.memory_space<vmem>>)
          "tpu.region"() ({
            %run_scoped3A = tpu.sem_alloc : memref<!tpu.dma_semaphore, #tpu.memory_space<semaphore_mem>>
            %dma_start3A_90 = arith.constant 0 : i32
            %dma_start3A_91 = arith.constant 0 : i32
            %dma_start3A_92 = tpu.memref_slice %arg12[%dma_start3A_90, %dma_start3A_91] : memref<10240x128xf32, #tpu.memory_space<vmem_shared>> -> memref<10240x128xf32, #tpu.memory_space<vmem_shared>>
            tpu.enqueue_indirect_dma source(%arg9 : memref<128x128xf32, #tpu.memory_space<vmem>>) target(%dma_start3A_92 : memref<10240x128xf32, #tpu.memory_space<vmem_shared>>) offsets(%arg8 : memref<128xi32, #tpu.memory_space<vmem>>) semaphore(%run_scoped3A : memref<!tpu.dma_semaphore, #tpu.memory_space<semaphore_mem>>) {add = true}
            %dma_wait3A_93 = arith.constant 0 : i32
            %dma_wait3A_94 = arith.constant 0 : i32
            %dma_wait3A_95 = tpu.memref_slice %arg12[%dma_wait3A_93, %dma_wait3A_94] : memref<10240x128xf32, #tpu.memory_space<vmem_shared>> -> memref<10240x128xf32, #tpu.memory_space<vmem_shared>>
            tpu.wait_indirect_dma semaphore(%run_scoped3A : memref<!tpu.dma_semaphore, #tpu.memory_space<semaphore_mem>>) src(%arg9 : memref<128x128xf32, #tpu.memory_space<vmem>>) dst(%dma_wait3A_95 : memref<10240x128xf32, #tpu.memory_space<vmem_shared>>)
            tpu.yield
          }) : () -> ()
          %dma_wait3A_86 = arith.constant 0 : i32
          %dma_wait3A_87 = tpu.memref_slice %arg2[%mul3A_78, %dma_wait3A_86] : memref<160000x128xf32, #tpu.memory_space<hbm>> -> memref<128x128xf32, #tpu.memory_space<hbm>>
          %dma_wait3A_88 = arith.constant 0 : i32
          %dma_wait3A_89 = tpu.memref_slice %arg2[%mul3A_78, %dma_wait3A_88] : memref<160000x128xf32, #tpu.memory_space<hbm>> -> memref<128x128xf32, #tpu.memory_space<hbm>>
          tpu.wait_dma2 semaphore(%arg14 : memref<!tpu.dma_semaphore, #tpu.memory_space<semaphore_mem>>) src(%dma_wait3A_89 : memref<128x128xf32, #tpu.memory_space<hbm>>) dst(%arg11 : memref<128x128xf32, #tpu.memory_space<vmem>>)
          "tpu.region"() ({
            %run_scoped3A = tpu.sem_alloc : memref<!tpu.dma_semaphore, #tpu.memory_space<semaphore_mem>>
            %dma_start3A_90 = arith.constant 0 : i32
            %dma_start3A_91 = arith.constant 0 : i32
            %dma_start3A_92 = tpu.memref_slice %arg12[%dma_start3A_90, %dma_start3A_91] : memref<10240x128xf32, #tpu.memory_space<vmem_shared>> -> memref<10240x128xf32, #tpu.memory_space<vmem_shared>>
            tpu.enqueue_indirect_dma source(%arg11 : memref<128x128xf32, #tpu.memory_space<vmem>>) target(%dma_start3A_92 : memref<10240x128xf32, #tpu.memory_space<vmem_shared>>) offsets(%arg10 : memref<128xi32, #tpu.memory_space<vmem>>) semaphore(%run_scoped3A : memref<!tpu.dma_semaphore, #tpu.memory_space<semaphore_mem>>) {add = true}
            %dma_wait3A_93 = arith.constant 0 : i32
            %dma_wait3A_94 = arith.constant 0 : i32
            %dma_wait3A_95 = tpu.memref_slice %arg12[%dma_wait3A_93, %dma_wait3A_94] : memref<10240x128xf32, #tpu.memory_space<vmem_shared>> -> memref<10240x128xf32, #tpu.memory_space<vmem_shared>>
            tpu.wait_indirect_dma semaphore(%run_scoped3A : memref<!tpu.dma_semaphore, #tpu.memory_space<semaphore_mem>>) src(%arg11 : memref<128x128xf32, #tpu.memory_space<vmem>>) dst(%dma_wait3A_95 : memref<10240x128xf32, #tpu.memory_space<vmem_shared>>)
            tpu.yield
          }) : () -> ()
        } else {
        }
        %ge3A = arith.constant 1250 : i32
        %ge3A_73 = arith.cmpi sge, %add3A_60, %ge3A : i32
        %convert_element_type3A_74 = arith.extui %ge3A_73 : i1 to i32
        %cond3A_75 = arith.constant 0 : i32
        %cond3A_76 = arith.cmpi ne, %convert_element_type3A_74, %cond3A_75 : i32
        scf.if %cond3A_76 {
          %dma_wait3A = arith.constant 0 : i32
          %dma_wait3A_77 = tpu.memref_slice %arg2[%mul3A_64, %dma_wait3A] : memref<160000x128xf32, #tpu.memory_space<hbm>> -> memref<128x128xf32, #tpu.memory_space<hbm>>
          %dma_wait3A_78 = arith.constant 0 : i32
          %dma_wait3A_79 = tpu.memref_slice %arg2[%mul3A_64, %dma_wait3A_78] : memref<160000x128xf32, #tpu.memory_space<hbm>> -> memref<128x128xf32, #tpu.memory_space<hbm>>
          tpu.wait_dma2 semaphore(%arg13 : memref<!tpu.dma_semaphore, #tpu.memory_space<semaphore_mem>>) src(%dma_wait3A_79 : memref<128x128xf32, #tpu.memory_space<hbm>>) dst(%arg9 : memref<128x128xf32, #tpu.memory_space<vmem>>)
          "tpu.region"() ({
            %run_scoped3A = tpu.sem_alloc : memref<!tpu.dma_semaphore, #tpu.memory_space<semaphore_mem>>
            %dma_start3A_80 = arith.constant 0 : i32
            %dma_start3A_81 = arith.constant 0 : i32
            %dma_start3A_82 = tpu.memref_slice %arg12[%dma_start3A_80, %dma_start3A_81] : memref<10240x128xf32, #tpu.memory_space<vmem_shared>> -> memref<10240x128xf32, #tpu.memory_space<vmem_shared>>
            tpu.enqueue_indirect_dma source(%arg9 : memref<128x128xf32, #tpu.memory_space<vmem>>) target(%dma_start3A_82 : memref<10240x128xf32, #tpu.memory_space<vmem_shared>>) offsets(%arg8 : memref<128xi32, #tpu.memory_space<vmem>>) semaphore(%run_scoped3A : memref<!tpu.dma_semaphore, #tpu.memory_space<semaphore_mem>>) {add = true}
            %dma_wait3A_83 = arith.constant 0 : i32
            %dma_wait3A_84 = arith.constant 0 : i32
            %dma_wait3A_85 = tpu.memref_slice %arg12[%dma_wait3A_83, %dma_wait3A_84] : memref<10240x128xf32, #tpu.memory_space<vmem_shared>> -> memref<10240x128xf32, #tpu.memory_space<vmem_shared>>
            tpu.wait_indirect_dma semaphore(%run_scoped3A : memref<!tpu.dma_semaphore, #tpu.memory_space<semaphore_mem>>) src(%arg9 : memref<128x128xf32, #tpu.memory_space<vmem>>) dst(%dma_wait3A_85 : memref<10240x128xf32, #tpu.memory_space<vmem_shared>>)
            tpu.yield
          }) : () -> ()
        } else {
        }
      } else {
      }
    }
    %scan3A_17 = arith.constant 20 : i32
    %scan3A_18 = arith.constant 0 : i32
    %scan3A_19 = arith.constant 0 : i32
    %scan3A_20 = arith.constant 20 : i32
    %scan3A_21 = arith.addi %scan3A_19, %scan3A_20 : i32
    %scan3A_22 = arith.constant 1 : i32
    scf.for %scan3A_48 = %scan3A_19 to %scan3A_21 step %scan3A_22  : i32 {
      %mul3A_49 = arith.constant 2 : i32
      %mul3A_50 = arith.muli %mul3A_49, %scan3A_48 : i32
      %mul3A_51 = arith.constant 32 : i32
      %mul3A_52 = arith.muli %mul3A_50, %mul3A_51 : i32
      %add3A_53 = arith.addi %mul3A_52, %add3A : i32
      %mul3A_54 = arith.constant 2 : i32
      %mul3A_55 = arith.muli %mul3A_54, %scan3A_48 : i32
      %add3A_56 = arith.constant 1 : i32
      %add3A_57 = arith.addi %mul3A_55, %add3A_56 : i32
      %mul3A_58 = arith.constant 32 : i32
      %mul3A_59 = arith.muli %add3A_57, %mul3A_58 : i32
      %add3A_60 = arith.addi %mul3A_59, %add3A : i32
      %lt3A = arith.constant 1250 : i32
      %lt3A_61 = arith.cmpi slt, %add3A_53, %lt3A : i32
      %convert_element_type3A = arith.extui %lt3A_61 : i1 to i32
      %cond3A = arith.constant 0 : i32
      %cond3A_62 = arith.cmpi ne, %convert_element_type3A, %cond3A : i32
      scf.if %cond3A_62 {
        %mul3A_63 = arith.constant 128 : i32
        %mul3A_64 = arith.muli %add3A_53, %mul3A_63 : i32
        "tpu.region"() ({
          %run_scoped3A = tpu.sem_alloc : memref<!tpu.dma_semaphore, #tpu.memory_space<semaphore_mem>>
          %dma_start3A_77 = tpu.memref_slice %arg5[%mul3A_64] : memref<160000xi32, #tpu.memory_space<hbm>> -> memref<128xi32, #tpu.memory_space<hbm>>
          %dma_start3A_78 = tpu.memref_slice %arg5[%mul3A_64] : memref<160000xi32, #tpu.memory_space<hbm>> -> memref<128xi32, #tpu.memory_space<hbm>>
          tpu.enqueue_dma source(%dma_start3A_78 : memref<128xi32, #tpu.memory_space<hbm>>) target(%arg8 : memref<128xi32, #tpu.memory_space<vmem>>) target_semaphore(%run_scoped3A : memref<!tpu.dma_semaphore, #tpu.memory_space<semaphore_mem>>)
          %dma_wait3A = tpu.memref_slice %arg5[%mul3A_64] : memref<160000xi32, #tpu.memory_space<hbm>> -> memref<128xi32, #tpu.memory_space<hbm>>
          %dma_wait3A_79 = tpu.memref_slice %arg5[%mul3A_64] : memref<160000xi32, #tpu.memory_space<hbm>> -> memref<128xi32, #tpu.memory_space<hbm>>
          tpu.wait_dma2 semaphore(%run_scoped3A : memref<!tpu.dma_semaphore, #tpu.memory_space<semaphore_mem>>) src(%dma_wait3A_79 : memref<128xi32, #tpu.memory_space<hbm>>) dst(%arg8 : memref<128xi32, #tpu.memory_space<vmem>>)
          tpu.yield
        }) : () -> ()
        %dma_start3A = arith.constant 0 : i32
        %dma_start3A_65 = tpu.memref_slice %arg4[%mul3A_64, %dma_start3A] : memref<160000x128xf32, #tpu.memory_space<hbm>> -> memref<128x128xf32, #tpu.memory_space<hbm>>
        %dma_start3A_66 = arith.constant 0 : i32
        %dma_start3A_67 = tpu.memref_slice %arg4[%mul3A_64, %dma_start3A_66] : memref<160000x128xf32, #tpu.memory_space<hbm>> -> memref<128x128xf32, #tpu.memory_space<hbm>>
        tpu.enqueue_dma source(%dma_start3A_67 : memref<128x128xf32, #tpu.memory_space<hbm>>) target(%arg9 : memref<128x128xf32, #tpu.memory_space<vmem>>) target_semaphore(%arg13 : memref<!tpu.dma_semaphore, #tpu.memory_space<semaphore_mem>>)
        %lt3A_68 = arith.constant 1250 : i32
        %lt3A_69 = arith.cmpi slt, %add3A_60, %lt3A_68 : i32
        %convert_element_type3A_70 = arith.extui %lt3A_69 : i1 to i32
        %cond3A_71 = arith.constant 0 : i32
        %cond3A_72 = arith.cmpi ne, %convert_element_type3A_70, %cond3A_71 : i32
        scf.if %cond3A_72 {
          %mul3A_77 = arith.constant 128 : i32
          %mul3A_78 = arith.muli %add3A_60, %mul3A_77 : i32
          "tpu.region"() ({
            %run_scoped3A = tpu.sem_alloc : memref<!tpu.dma_semaphore, #tpu.memory_space<semaphore_mem>>
            %dma_start3A_90 = tpu.memref_slice %arg5[%mul3A_78] : memref<160000xi32, #tpu.memory_space<hbm>> -> memref<128xi32, #tpu.memory_space<hbm>>
            %dma_start3A_91 = tpu.memref_slice %arg5[%mul3A_78] : memref<160000xi32, #tpu.memory_space<hbm>> -> memref<128xi32, #tpu.memory_space<hbm>>
            tpu.enqueue_dma source(%dma_start3A_91 : memref<128xi32, #tpu.memory_space<hbm>>) target(%arg10 : memref<128xi32, #tpu.memory_space<vmem>>) target_semaphore(%run_scoped3A : memref<!tpu.dma_semaphore, #tpu.memory_space<semaphore_mem>>)
            %dma_wait3A_92 = tpu.memref_slice %arg5[%mul3A_78] : memref<160000xi32, #tpu.memory_space<hbm>> -> memref<128xi32, #tpu.memory_space<hbm>>
            %dma_wait3A_93 = tpu.memref_slice %arg5[%mul3A_78] : memref<160000xi32, #tpu.memory_space<hbm>> -> memref<128xi32, #tpu.memory_space<hbm>>
            tpu.wait_dma2 semaphore(%run_scoped3A : memref<!tpu.dma_semaphore, #tpu.memory_space<semaphore_mem>>) src(%dma_wait3A_93 : memref<128xi32, #tpu.memory_space<hbm>>) dst(%arg10 : memref<128xi32, #tpu.memory_space<vmem>>)
            tpu.yield
          }) : () -> ()
          %dma_start3A_79 = arith.constant 0 : i32
          %dma_start3A_80 = tpu.memref_slice %arg4[%mul3A_78, %dma_start3A_79] : memref<160000x128xf32, #tpu.memory_space<hbm>> -> memref<128x128xf32, #tpu.memory_space<hbm>>
          %dma_start3A_81 = arith.constant 0 : i32
          %dma_start3A_82 = tpu.memref_slice %arg4[%mul3A_78, %dma_start3A_81] : memref<160000x128xf32, #tpu.memory_space<hbm>> -> memref<128x128xf32, #tpu.memory_space<hbm>>
          tpu.enqueue_dma source(%dma_start3A_82 : memref<128x128xf32, #tpu.memory_space<hbm>>) target(%arg11 : memref<128x128xf32, #tpu.memory_space<vmem>>) target_semaphore(%arg14 : memref<!tpu.dma_semaphore, #tpu.memory_space<semaphore_mem>>)
          %dma_wait3A = arith.constant 0 : i32
          %dma_wait3A_83 = tpu.memref_slice %arg4[%mul3A_64, %dma_wait3A] : memref<160000x128xf32, #tpu.memory_space<hbm>> -> memref<128x128xf32, #tpu.memory_space<hbm>>
          %dma_wait3A_84 = arith.constant 0 : i32
          %dma_wait3A_85 = tpu.memref_slice %arg4[%mul3A_64, %dma_wait3A_84] : memref<160000x128xf32, #tpu.memory_space<hbm>> -> memref<128x128xf32, #tpu.memory_space<hbm>>
          tpu.wait_dma2 semaphore(%arg13 : memref<!tpu.dma_semaphore, #tpu.memory_space<semaphore_mem>>) src(%dma_wait3A_85 : memref<128x128xf32, #tpu.memory_space<hbm>>) dst(%arg9 : memref<128x128xf32, #tpu.memory_space<vmem>>)
          "tpu.region"() ({
            %run_scoped3A = tpu.sem_alloc : memref<!tpu.dma_semaphore, #tpu.memory_space<semaphore_mem>>
            %dma_start3A_90 = arith.constant 0 : i32
            %dma_start3A_91 = arith.constant 0 : i32
            %dma_start3A_92 = tpu.memref_slice %arg12[%dma_start3A_90, %dma_start3A_91] : memref<10240x128xf32, #tpu.memory_space<vmem_shared>> -> memref<10240x128xf32, #tpu.memory_space<vmem_shared>>
            tpu.enqueue_indirect_dma source(%arg9 : memref<128x128xf32, #tpu.memory_space<vmem>>) target(%dma_start3A_92 : memref<10240x128xf32, #tpu.memory_space<vmem_shared>>) offsets(%arg8 : memref<128xi32, #tpu.memory_space<vmem>>) semaphore(%run_scoped3A : memref<!tpu.dma_semaphore, #tpu.memory_space<semaphore_mem>>) {add = true}
            %dma_wait3A_93 = arith.constant 0 : i32
            %dma_wait3A_94 = arith.constant 0 : i32
            %dma_wait3A_95 = tpu.memref_slice %arg12[%dma_wait3A_93, %dma_wait3A_94] : memref<10240x128xf32, #tpu.memory_space<vmem_shared>> -> memref<10240x128xf32, #tpu.memory_space<vmem_shared>>
            tpu.wait_indirect_dma semaphore(%run_scoped3A : memref<!tpu.dma_semaphore, #tpu.memory_space<semaphore_mem>>) src(%arg9 : memref<128x128xf32, #tpu.memory_space<vmem>>) dst(%dma_wait3A_95 : memref<10240x128xf32, #tpu.memory_space<vmem_shared>>)
            tpu.yield
          }) : () -> ()
          %dma_wait3A_86 = arith.constant 0 : i32
          %dma_wait3A_87 = tpu.memref_slice %arg4[%mul3A_78, %dma_wait3A_86] : memref<160000x128xf32, #tpu.memory_space<hbm>> -> memref<128x128xf32, #tpu.memory_space<hbm>>
          %dma_wait3A_88 = arith.constant 0 : i32
          %dma_wait3A_89 = tpu.memref_slice %arg4[%mul3A_78, %dma_wait3A_88] : memref<160000x128xf32, #tpu.memory_space<hbm>> -> memref<128x128xf32, #tpu.memory_space<hbm>>
          tpu.wait_dma2 semaphore(%arg14 : memref<!tpu.dma_semaphore, #tpu.memory_space<semaphore_mem>>) src(%dma_wait3A_89 : memref<128x128xf32, #tpu.memory_space<hbm>>) dst(%arg11 : memref<128x128xf32, #tpu.memory_space<vmem>>)
          "tpu.region"() ({
            %run_scoped3A = tpu.sem_alloc : memref<!tpu.dma_semaphore, #tpu.memory_space<semaphore_mem>>
            %dma_start3A_90 = arith.constant 0 : i32
            %dma_start3A_91 = arith.constant 0 : i32
            %dma_start3A_92 = tpu.memref_slice %arg12[%dma_start3A_90, %dma_start3A_91] : memref<10240x128xf32, #tpu.memory_space<vmem_shared>> -> memref<10240x128xf32, #tpu.memory_space<vmem_shared>>
            tpu.enqueue_indirect_dma source(%arg11 : memref<128x128xf32, #tpu.memory_space<vmem>>) target(%dma_start3A_92 : memref<10240x128xf32, #tpu.memory_space<vmem_shared>>) offsets(%arg10 : memref<128xi32, #tpu.memory_space<vmem>>) semaphore(%run_scoped3A : memref<!tpu.dma_semaphore, #tpu.memory_space<semaphore_mem>>) {add = true}
            %dma_wait3A_93 = arith.constant 0 : i32
            %dma_wait3A_94 = arith.constant 0 : i32
            %dma_wait3A_95 = tpu.memref_slice %arg12[%dma_wait3A_93, %dma_wait3A_94] : memref<10240x128xf32, #tpu.memory_space<vmem_shared>> -> memref<10240x128xf32, #tpu.memory_space<vmem_shared>>
            tpu.wait_indirect_dma semaphore(%run_scoped3A : memref<!tpu.dma_semaphore, #tpu.memory_space<semaphore_mem>>) src(%arg11 : memref<128x128xf32, #tpu.memory_space<vmem>>) dst(%dma_wait3A_95 : memref<10240x128xf32, #tpu.memory_space<vmem_shared>>)
            tpu.yield
          }) : () -> ()
        } else {
        }
        %ge3A = arith.constant 1250 : i32
        %ge3A_73 = arith.cmpi sge, %add3A_60, %ge3A : i32
        %convert_element_type3A_74 = arith.extui %ge3A_73 : i1 to i32
        %cond3A_75 = arith.constant 0 : i32
        %cond3A_76 = arith.cmpi ne, %convert_element_type3A_74, %cond3A_75 : i32
        scf.if %cond3A_76 {
          %dma_wait3A = arith.constant 0 : i32
          %dma_wait3A_77 = tpu.memref_slice %arg4[%mul3A_64, %dma_wait3A] : memref<160000x128xf32, #tpu.memory_space<hbm>> -> memref<128x128xf32, #tpu.memory_space<hbm>>
          %dma_wait3A_78 = arith.constant 0 : i32
          %dma_wait3A_79 = tpu.memref_slice %arg4[%mul3A_64, %dma_wait3A_78] : memref<160000x128xf32, #tpu.memory_space<hbm>> -> memref<128x128xf32, #tpu.memory_space<hbm>>
          tpu.wait_dma2 semaphore(%arg13 : memref<!tpu.dma_semaphore, #tpu.memory_space<semaphore_mem>>) src(%dma_wait3A_79 : memref<128x128xf32, #tpu.memory_space<hbm>>) dst(%arg9 : memref<128x128xf32, #tpu.memory_space<vmem>>)
          "tpu.region"() ({
            %run_scoped3A = tpu.sem_alloc : memref<!tpu.dma_semaphore, #tpu.memory_space<semaphore_mem>>
            %dma_start3A_80 = arith.constant 0 : i32
            %dma_start3A_81 = arith.constant 0 : i32
            %dma_start3A_82 = tpu.memref_slice %arg12[%dma_start3A_80, %dma_start3A_81] : memref<10240x128xf32, #tpu.memory_space<vmem_shared>> -> memref<10240x128xf32, #tpu.memory_space<vmem_shared>>
            tpu.enqueue_indirect_dma source(%arg9 : memref<128x128xf32, #tpu.memory_space<vmem>>) target(%dma_start3A_82 : memref<10240x128xf32, #tpu.memory_space<vmem_shared>>) offsets(%arg8 : memref<128xi32, #tpu.memory_space<vmem>>) semaphore(%run_scoped3A : memref<!tpu.dma_semaphore, #tpu.memory_space<semaphore_mem>>) {add = true}
            %dma_wait3A_83 = arith.constant 0 : i32
            %dma_wait3A_84 = arith.constant 0 : i32
            %dma_wait3A_85 = tpu.memref_slice %arg12[%dma_wait3A_83, %dma_wait3A_84] : memref<10240x128xf32, #tpu.memory_space<vmem_shared>> -> memref<10240x128xf32, #tpu.memory_space<vmem_shared>>
            tpu.wait_indirect_dma semaphore(%run_scoped3A : memref<!tpu.dma_semaphore, #tpu.memory_space<semaphore_mem>>) src(%arg9 : memref<128x128xf32, #tpu.memory_space<vmem>>) dst(%dma_wait3A_85 : memref<10240x128xf32, #tpu.memory_space<vmem_shared>>)
            tpu.yield
          }) : () -> ()
        } else {
        }
      } else {
      }
    }
    %scan3A_23 = arith.constant 20 : i32
    %barrier3A_24 = arith.constant 0 : index
    tpu.barrier barrier_id(%barrier3A_24)
    %mul3A_25 = arith.constant 10240 : i32
    %mul3A_26 = arith.muli %arg0, %mul3A_25 : i32
    %add3A_27 = arith.addi %mul3A_26, %mul3A_2 : i32
    %add3A_28 = arith.constant 0 : i32
    %add3A_29 = arith.addi %mul3A_2, %add3A_28 : i32
    "tpu.region"() ({
      %run_scoped3A = tpu.sem_alloc : memref<!tpu.dma_semaphore, #tpu.memory_space<semaphore_mem>>
      %dma_start3A = arith.constant 0 : i32
      %dma_start3A_48 = tpu.memref_slice %arg12[%add3A_29, %dma_start3A] : memref<10240x128xf32, #tpu.memory_space<vmem_shared>> -> memref<128x128xf32, #tpu.memory_space<vmem_shared>>
      %dma_start3A_49 = arith.constant 0 : i32
      %dma_start3A_50 = tpu.memref_slice %arg12[%add3A_29, %dma_start3A_49] : memref<10240x128xf32, #tpu.memory_space<vmem_shared>> -> memref<128x128xf32, #tpu.memory_space<vmem_shared>>
      tpu.enqueue_dma source(%dma_start3A_50 : memref<128x128xf32, #tpu.memory_space<vmem_shared>>) target(%arg9 : memref<128x128xf32, #tpu.memory_space<vmem>>) target_semaphore(%run_scoped3A : memref<!tpu.dma_semaphore, #tpu.memory_space<semaphore_mem>>)
      %dma_wait3A = arith.constant 0 : i32
      %dma_wait3A_51 = tpu.memref_slice %arg12[%add3A_29, %dma_wait3A] : memref<10240x128xf32, #tpu.memory_space<vmem_shared>> -> memref<128x128xf32, #tpu.memory_space<vmem_shared>>
      %dma_wait3A_52 = arith.constant 0 : i32
      %dma_wait3A_53 = tpu.memref_slice %arg12[%add3A_29, %dma_wait3A_52] : memref<10240x128xf32, #tpu.memory_space<vmem_shared>> -> memref<128x128xf32, #tpu.memory_space<vmem_shared>>
      tpu.wait_dma2 semaphore(%run_scoped3A : memref<!tpu.dma_semaphore, #tpu.memory_space<semaphore_mem>>) src(%dma_wait3A_53 : memref<128x128xf32, #tpu.memory_space<vmem_shared>>) dst(%arg9 : memref<128x128xf32, #tpu.memory_space<vmem>>)
      tpu.yield
    }) : () -> ()
    %add3A_30 = arith.constant 0 : i32
    %add3A_31 = arith.addi %add3A_27, %add3A_30 : i32
    "tpu.region"() ({
      %run_scoped3A = tpu.sem_alloc : memref<!tpu.dma_semaphore, #tpu.memory_space<semaphore_mem>>
      %dma_start3A = arith.constant 0 : i32
      %dma_start3A_48 = tpu.memref_slice %arg7[%add3A_31, %dma_start3A] : memref<20480x128xf32, #tpu.memory_space<hbm>> -> memref<128x128xf32, #tpu.memory_space<hbm>>
      %dma_start3A_49 = arith.constant 0 : i32
      %dma_start3A_50 = tpu.memref_slice %arg7[%add3A_31, %dma_start3A_49] : memref<20480x128xf32, #tpu.memory_space<hbm>> -> memref<128x128xf32, #tpu.memory_space<hbm>>
      tpu.enqueue_dma source(%arg9 : memref<128x128xf32, #tpu.memory_space<vmem>>) target(%dma_start3A_50 : memref<128x128xf32, #tpu.memory_space<hbm>>) target_semaphore(%run_scoped3A : memref<!tpu.dma_semaphore, #tpu.memory_space<semaphore_mem>>)
      %dma_wait3A = arith.constant 0 : i32
      %dma_wait3A_51 = tpu.memref_slice %arg7[%add3A_31, %dma_wait3A] : memref<20480x128xf32, #tpu.memory_space<hbm>> -> memref<128x128xf32, #tpu.memory_space<hbm>>
      %dma_wait3A_52 = arith.constant 0 : i32
      %dma_wait3A_53 = tpu.memref_slice %arg7[%add3A_31, %dma_wait3A_52] : memref<20480x128xf32, #tpu.memory_space<hbm>> -> memref<128x128xf32, #tpu.memory_space<hbm>>
      tpu.wait_dma2 semaphore(%run_scoped3A : memref<!tpu.dma_semaphore, #tpu.memory_space<semaphore_mem>>) src(%arg9 : memref<128x128xf32, #tpu.memory_space<vmem>>) dst(%dma_wait3A_53 : memref<128x128xf32, #tpu.memory_space<hbm>>)
      tpu.yield
    }) : () -> ()
    %add3A_32 = arith.constant 128 : i32
    %add3A_33 = arith.addi %mul3A_2, %add3A_32 : i32
    "tpu.region"() ({
      %run_scoped3A = tpu.sem_alloc : memref<!tpu.dma_semaphore, #tpu.memory_space<semaphore_mem>>
      %dma_start3A = arith.constant 0 : i32
      %dma_start3A_48 = tpu.memref_slice %arg12[%add3A_33, %dma_start3A] : memref<10240x128xf32, #tpu.memory_space<vmem_shared>> -> memref<128x128xf32, #tpu.memory_space<vmem_shared>>
      %dma_start3A_49 = arith.constant 0 : i32
      %dma_start3A_50 = tpu.memref_slice %arg12[%add3A_33, %dma_start3A_49] : memref<10240x128xf32, #tpu.memory_space<vmem_shared>> -> memref<128x128xf32, #tpu.memory_space<vmem_shared>>
      tpu.enqueue_dma source(%dma_start3A_50 : memref<128x128xf32, #tpu.memory_space<vmem_shared>>) target(%arg9 : memref<128x128xf32, #tpu.memory_space<vmem>>) target_semaphore(%run_scoped3A : memref<!tpu.dma_semaphore, #tpu.memory_space<semaphore_mem>>)
      %dma_wait3A = arith.constant 0 : i32
      %dma_wait3A_51 = tpu.memref_slice %arg12[%add3A_33, %dma_wait3A] : memref<10240x128xf32, #tpu.memory_space<vmem_shared>> -> memref<128x128xf32, #tpu.memory_space<vmem_shared>>
      %dma_wait3A_52 = arith.constant 0 : i32
      %dma_wait3A_53 = tpu.memref_slice %arg12[%add3A_33, %dma_wait3A_52] : memref<10240x128xf32, #tpu.memory_space<vmem_shared>> -> memref<128x128xf32, #tpu.memory_space<vmem_shared>>
      tpu.wait_dma2 semaphore(%run_scoped3A : memref<!tpu.dma_semaphore, #tpu.memory_space<semaphore_mem>>) src(%dma_wait3A_53 : memref<128x128xf32, #tpu.memory_space<vmem_shared>>) dst(%arg9 : memref<128x128xf32, #tpu.memory_space<vmem>>)
      tpu.yield
    }) : () -> ()
    %add3A_34 = arith.constant 128 : i32
    %add3A_35 = arith.addi %add3A_27, %add3A_34 : i32
    "tpu.region"() ({
      %run_scoped3A = tpu.sem_alloc : memref<!tpu.dma_semaphore, #tpu.memory_space<semaphore_mem>>
      %dma_start3A = arith.constant 0 : i32
      %dma_start3A_48 = tpu.memref_slice %arg7[%add3A_35, %dma_start3A] : memref<20480x128xf32, #tpu.memory_space<hbm>> -> memref<128x128xf32, #tpu.memory_space<hbm>>
      %dma_start3A_49 = arith.constant 0 : i32
      %dma_start3A_50 = tpu.memref_slice %arg7[%add3A_35, %dma_start3A_49] : memref<20480x128xf32, #tpu.memory_space<hbm>> -> memref<128x128xf32, #tpu.memory_space<hbm>>
      tpu.enqueue_dma source(%arg9 : memref<128x128xf32, #tpu.memory_space<vmem>>) target(%dma_start3A_50 : memref<128x128xf32, #tpu.memory_space<hbm>>) target_semaphore(%run_scoped3A : memref<!tpu.dma_semaphore, #tpu.memory_space<semaphore_mem>>)
      %dma_wait3A = arith.constant 0 : i32
      %dma_wait3A_51 = tpu.memref_slice %arg7[%add3A_35, %dma_wait3A] : memref<20480x128xf32, #tpu.memory_space<hbm>> -> memref<128x128xf32, #tpu.memory_space<hbm>>
      %dma_wait3A_52 = arith.constant 0 : i32
      %dma_wait3A_53 = tpu.memref_slice %arg7[%add3A_35, %dma_wait3A_52] : memref<20480x128xf32, #tpu.memory_space<hbm>> -> memref<128x128xf32, #tpu.memory_space<hbm>>
      tpu.wait_dma2 semaphore(%run_scoped3A : memref<!tpu.dma_semaphore, #tpu.memory_space<semaphore_mem>>) src(%arg9 : memref<128x128xf32, #tpu.memory_space<vmem>>) dst(%dma_wait3A_53 : memref<128x128xf32, #tpu.memory_space<hbm>>)
      tpu.yield
    }) : () -> ()
    %add3A_36 = arith.constant 256 : i32
    %add3A_37 = arith.addi %mul3A_2, %add3A_36 : i32
    "tpu.region"() ({
      %run_scoped3A = tpu.sem_alloc : memref<!tpu.dma_semaphore, #tpu.memory_space<semaphore_mem>>
      %dma_start3A = arith.constant 0 : i32
      %dma_start3A_48 = tpu.memref_slice %arg12[%add3A_37, %dma_start3A] : memref<10240x128xf32, #tpu.memory_space<vmem_shared>> -> memref<128x128xf32, #tpu.memory_space<vmem_shared>>
      %dma_start3A_49 = arith.constant 0 : i32
      %dma_start3A_50 = tpu.memref_slice %arg12[%add3A_37, %dma_start3A_49] : memref<10240x128xf32, #tpu.memory_space<vmem_shared>> -> memref<128x128xf32, #tpu.memory_space<vmem_shared>>
      tpu.enqueue_dma source(%dma_start3A_50 : memref<128x128xf32, #tpu.memory_space<vmem_shared>>) target(%arg9 : memref<128x128xf32, #tpu.memory_space<vmem>>) target_semaphore(%run_scoped3A : memref<!tpu.dma_semaphore, #tpu.memory_space<semaphore_mem>>)
      %dma_wait3A = arith.constant 0 : i32
      %dma_wait3A_51 = tpu.memref_slice %arg12[%add3A_37, %dma_wait3A] : memref<10240x128xf32, #tpu.memory_space<vmem_shared>> -> memref<128x128xf32, #tpu.memory_space<vmem_shared>>
      %dma_wait3A_52 = arith.constant 0 : i32
      %dma_wait3A_53 = tpu.memref_slice %arg12[%add3A_37, %dma_wait3A_52] : memref<10240x128xf32, #tpu.memory_space<vmem_shared>> -> memref<128x128xf32, #tpu.memory_space<vmem_shared>>
      tpu.wait_dma2 semaphore(%run_scoped3A : memref<!tpu.dma_semaphore, #tpu.memory_space<semaphore_mem>>) src(%dma_wait3A_53 : memref<128x128xf32, #tpu.memory_space<vmem_shared>>) dst(%arg9 : memref<128x128xf32, #tpu.memory_space<vmem>>)
      tpu.yield
    }) : () -> ()
    %add3A_38 = arith.constant 256 : i32
    %add3A_39 = arith.addi %add3A_27, %add3A_38 : i32
    "tpu.region"() ({
      %run_scoped3A = tpu.sem_alloc : memref<!tpu.dma_semaphore, #tpu.memory_space<semaphore_mem>>
      %dma_start3A = arith.constant 0 : i32
      %dma_start3A_48 = tpu.memref_slice %arg7[%add3A_39, %dma_start3A] : memref<20480x128xf32, #tpu.memory_space<hbm>> -> memref<128x128xf32, #tpu.memory_space<hbm>>
      %dma_start3A_49 = arith.constant 0 : i32
      %dma_start3A_50 = tpu.memref_slice %arg7[%add3A_39, %dma_start3A_49] : memref<20480x128xf32, #tpu.memory_space<hbm>> -> memref<128x128xf32, #tpu.memory_space<hbm>>
      tpu.enqueue_dma source(%arg9 : memref<128x128xf32, #tpu.memory_space<vmem>>) target(%dma_start3A_50 : memref<128x128xf32, #tpu.memory_space<hbm>>) target_semaphore(%run_scoped3A : memref<!tpu.dma_semaphore, #tpu.memory_space<semaphore_mem>>)
      %dma_wait3A = arith.constant 0 : i32
      %dma_wait3A_51 = tpu.memref_slice %arg7[%add3A_39, %dma_wait3A] : memref<20480x128xf32, #tpu.memory_space<hbm>> -> memref<128x128xf32, #tpu.memory_space<hbm>>
      %dma_wait3A_52 = arith.constant 0 : i32
      %dma_wait3A_53 = tpu.memref_slice %arg7[%add3A_39, %dma_wait3A_52] : memref<20480x128xf32, #tpu.memory_space<hbm>> -> memref<128x128xf32, #tpu.memory_space<hbm>>
      tpu.wait_dma2 semaphore(%run_scoped3A : memref<!tpu.dma_semaphore, #tpu.memory_space<semaphore_mem>>) src(%arg9 : memref<128x128xf32, #tpu.memory_space<vmem>>) dst(%dma_wait3A_53 : memref<128x128xf32, #tpu.memory_space<hbm>>)
      tpu.yield
    }) : () -> ()
    %add3A_40 = arith.constant 384 : i32
    %add3A_41 = arith.addi %mul3A_2, %add3A_40 : i32
    "tpu.region"() ({
      %run_scoped3A = tpu.sem_alloc : memref<!tpu.dma_semaphore, #tpu.memory_space<semaphore_mem>>
      %dma_start3A = arith.constant 0 : i32
      %dma_start3A_48 = tpu.memref_slice %arg12[%add3A_41, %dma_start3A] : memref<10240x128xf32, #tpu.memory_space<vmem_shared>> -> memref<128x128xf32, #tpu.memory_space<vmem_shared>>
      %dma_start3A_49 = arith.constant 0 : i32
      %dma_start3A_50 = tpu.memref_slice %arg12[%add3A_41, %dma_start3A_49] : memref<10240x128xf32, #tpu.memory_space<vmem_shared>> -> memref<128x128xf32, #tpu.memory_space<vmem_shared>>
      tpu.enqueue_dma source(%dma_start3A_50 : memref<128x128xf32, #tpu.memory_space<vmem_shared>>) target(%arg9 : memref<128x128xf32, #tpu.memory_space<vmem>>) target_semaphore(%run_scoped3A : memref<!tpu.dma_semaphore, #tpu.memory_space<semaphore_mem>>)
      %dma_wait3A = arith.constant 0 : i32
      %dma_wait3A_51 = tpu.memref_slice %arg12[%add3A_41, %dma_wait3A] : memref<10240x128xf32, #tpu.memory_space<vmem_shared>> -> memref<128x128xf32, #tpu.memory_space<vmem_shared>>
      %dma_wait3A_52 = arith.constant 0 : i32
      %dma_wait3A_53 = tpu.memref_slice %arg12[%add3A_41, %dma_wait3A_52] : memref<10240x128xf32, #tpu.memory_space<vmem_shared>> -> memref<128x128xf32, #tpu.memory_space<vmem_shared>>
      tpu.wait_dma2 semaphore(%run_scoped3A : memref<!tpu.dma_semaphore, #tpu.memory_space<semaphore_mem>>) src(%dma_wait3A_53 : memref<128x128xf32, #tpu.memory_space<vmem_shared>>) dst(%arg9 : memref<128x128xf32, #tpu.memory_space<vmem>>)
      tpu.yield
    }) : () -> ()
    %add3A_42 = arith.constant 384 : i32
    %add3A_43 = arith.addi %add3A_27, %add3A_42 : i32
    "tpu.region"() ({
      %run_scoped3A = tpu.sem_alloc : memref<!tpu.dma_semaphore, #tpu.memory_space<semaphore_mem>>
      %dma_start3A = arith.constant 0 : i32
      %dma_start3A_48 = tpu.memref_slice %arg7[%add3A_43, %dma_start3A] : memref<20480x128xf32, #tpu.memory_space<hbm>> -> memref<128x128xf32, #tpu.memory_space<hbm>>
      %dma_start3A_49 = arith.constant 0 : i32
      %dma_start3A_50 = tpu.memref_slice %arg7[%add3A_43, %dma_start3A_49] : memref<20480x128xf32, #tpu.memory_space<hbm>> -> memref<128x128xf32, #tpu.memory_space<hbm>>
      tpu.enqueue_dma source(%arg9 : memref<128x128xf32, #tpu.memory_space<vmem>>) target(%dma_start3A_50 : memref<128x128xf32, #tpu.memory_space<hbm>>) target_semaphore(%run_scoped3A : memref<!tpu.dma_semaphore, #tpu.memory_space<semaphore_mem>>)
      %dma_wait3A = arith.constant 0 : i32
      %dma_wait3A_51 = tpu.memref_slice %arg7[%add3A_43, %dma_wait3A] : memref<20480x128xf32, #tpu.memory_space<hbm>> -> memref<128x128xf32, #tpu.memory_space<hbm>>
      %dma_wait3A_52 = arith.constant 0 : i32
      %dma_wait3A_53 = tpu.memref_slice %arg7[%add3A_43, %dma_wait3A_52] : memref<20480x128xf32, #tpu.memory_space<hbm>> -> memref<128x128xf32, #tpu.memory_space<hbm>>
      tpu.wait_dma2 semaphore(%run_scoped3A : memref<!tpu.dma_semaphore, #tpu.memory_space<semaphore_mem>>) src(%arg9 : memref<128x128xf32, #tpu.memory_space<vmem>>) dst(%dma_wait3A_53 : memref<128x128xf32, #tpu.memory_space<hbm>>)
      tpu.yield
    }) : () -> ()
    %add3A_44 = arith.constant 512 : i32
    %add3A_45 = arith.addi %mul3A_2, %add3A_44 : i32
    "tpu.region"() ({
      %run_scoped3A = tpu.sem_alloc : memref<!tpu.dma_semaphore, #tpu.memory_space<semaphore_mem>>
      %dma_start3A = arith.constant 0 : i32
      %dma_start3A_48 = tpu.memref_slice %arg12[%add3A_45, %dma_start3A] : memref<10240x128xf32, #tpu.memory_space<vmem_shared>> -> memref<128x128xf32, #tpu.memory_space<vmem_shared>>
      %dma_start3A_49 = arith.constant 0 : i32
      %dma_start3A_50 = tpu.memref_slice %arg12[%add3A_45, %dma_start3A_49] : memref<10240x128xf32, #tpu.memory_space<vmem_shared>> -> memref<128x128xf32, #tpu.memory_space<vmem_shared>>
      tpu.enqueue_dma source(%dma_start3A_50 : memref<128x128xf32, #tpu.memory_space<vmem_shared>>) target(%arg9 : memref<128x128xf32, #tpu.memory_space<vmem>>) target_semaphore(%run_scoped3A : memref<!tpu.dma_semaphore, #tpu.memory_space<semaphore_mem>>)
      %dma_wait3A = arith.constant 0 : i32
      %dma_wait3A_51 = tpu.memref_slice %arg12[%add3A_45, %dma_wait3A] : memref<10240x128xf32, #tpu.memory_space<vmem_shared>> -> memref<128x128xf32, #tpu.memory_space<vmem_shared>>
      %dma_wait3A_52 = arith.constant 0 : i32
      %dma_wait3A_53 = tpu.memref_slice %arg12[%add3A_45, %dma_wait3A_52] : memref<10240x128xf32, #tpu.memory_space<vmem_shared>> -> memref<128x128xf32, #tpu.memory_space<vmem_shared>>
      tpu.wait_dma2 semaphore(%run_scoped3A : memref<!tpu.dma_semaphore, #tpu.memory_space<semaphore_mem>>) src(%dma_wait3A_53 : memref<128x128xf32, #tpu.memory_space<vmem_shared>>) dst(%arg9 : memref<128x128xf32, #tpu.memory_space<vmem>>)
      tpu.yield
    }) : () -> ()
    %add3A_46 = arith.constant 512 : i32
    %add3A_47 = arith.addi %add3A_27, %add3A_46 : i32
    "tpu.region"() ({
      %run_scoped3A = tpu.sem_alloc : memref<!tpu.dma_semaphore, #tpu.memory_space<semaphore_mem>>
      %dma_start3A = arith.constant 0 : i32
      %dma_start3A_48 = tpu.memref_slice %arg7[%add3A_47, %dma_start3A] : memref<20480x128xf32, #tpu.memory_space<hbm>> -> memref<128x128xf32, #tpu.memory_space<hbm>>
      %dma_start3A_49 = arith.constant 0 : i32
      %dma_start3A_50 = tpu.memref_slice %arg7[%add3A_47, %dma_start3A_49] : memref<20480x128xf32, #tpu.memory_space<hbm>> -> memref<128x128xf32, #tpu.memory_space<hbm>>
      tpu.enqueue_dma source(%arg9 : memref<128x128xf32, #tpu.memory_space<vmem>>) target(%dma_start3A_50 : memref<128x128xf32, #tpu.memory_space<hbm>>) target_semaphore(%run_scoped3A : memref<!tpu.dma_semaphore, #tpu.memory_space<semaphore_mem>>)
      %dma_wait3A = arith.constant 0 : i32
      %dma_wait3A_51 = tpu.memref_slice %arg7[%add3A_47, %dma_wait3A] : memref<20480x128xf32, #tpu.memory_space<hbm>> -> memref<128x128xf32, #tpu.memory_space<hbm>>
      %dma_wait3A_52 = arith.constant 0 : i32
      %dma_wait3A_53 = tpu.memref_slice %arg7[%add3A_47, %dma_wait3A_52] : memref<20480x128xf32, #tpu.memory_space<hbm>> -> memref<128x128xf32, #tpu.memory_space<hbm>>
      tpu.wait_dma2 semaphore(%run_scoped3A : memref<!tpu.dma_semaphore, #tpu.memory_space<semaphore_mem>>) src(%arg9 : memref<128x128xf32, #tpu.memory_space<vmem>>) dst(%dma_wait3A_53 : memref<128x128xf32, #tpu.memory_space<hbm>>)
      tpu.yield
    }) : () -> ()
    return
  }
}

module attributes {stable_mosaic.version = 14 : i64} {
  func.func @_dense_pre_body(%arg0: i32, %arg1: memref<1000x128xf32, #tpu.memory_space<vmem>>, %arg2: memref<128x384xf32, #tpu.memory_space<vmem>>, %arg3: memref<1x128xf32, #tpu.memory_space<vmem>>, %arg4: memref<1000x128xf32, #tpu.memory_space<vmem>>, %arg5: memref<1000x128xf32, #tpu.memory_space<vmem>>, %arg6: memref<1000x128xf32, #tpu.memory_space<vmem>>) attributes {dimension_semantics = [#tpu.dimension_semantics<arbitrary>], iteration_bounds = array<i64: 10>, scalar_prefetch = 0 : i64, scratch_operands = 0 : i64, tpu.core_type = #tpu.core_type<tc>, window_params = [{transform_indices = @transform_0, window_bounds = array<i64: 1000, 128>}, {pipeline_mode = #tpu.pipeline_mode<synchronous>, transform_indices = @transform_1, window_bounds = array<i64: 128, 384>}, {pipeline_mode = #tpu.pipeline_mode<synchronous>, transform_indices = @transform_2, window_bounds = array<i64: 1, 128>}, {transform_indices = @transform_3, window_bounds = array<i64: 1000, 128>}, {transform_indices = @transform_4, window_bounds = array<i64: 1000, 128>}, {transform_indices = @transform_5, window_bounds = array<i64: 1000, 128>}]} {
    %get3A = arith.constant 0 : index
    %get3A_0 = arith.constant 0 : index
    %get3A_1 = vector.load %arg1[%get3A, %get3A_0] : memref<1000x128xf32, #tpu.memory_space<vmem>>, vector<1000x128xf32>
    %get3A_2 = arith.constant 0 : index
    %get3A_3 = arith.constant 0 : index
    %get3A_4 = vector.load %arg2[%get3A_2, %get3A_3] : memref<128x384xf32, #tpu.memory_space<vmem>>, vector<128x384xf32>
    %dot_general3A = arith.constant dense<0.000000e+00> : vector<1000x384xf32>
    %dot_general3A_5 = tpu.matmul %get3A_1, %get3A_4, %dot_general3A {dimension_numbers = #tpu.dot_dimension_numbers<[1], [0], [0], [1], [0, 0, 1, 1], [], []>, transpose_lhs_hint = false} : vector<1000x128xf32>, vector<128x384xf32>, vector<1000x384xf32> -> vector<1000x384xf32>
    %slice3A = vector.extract_strided_slice %dot_general3A_5 {offsets = [0, 0], sizes = [1000, 128], strides = [1, 1]} : vector<1000x384xf32> to vector<1000x128xf32>
    %swap3A = arith.constant 0 : index
    %swap3A_6 = arith.constant 0 : index
    %swap3A_7 = vector.load %arg4[%swap3A, %swap3A_6] : memref<1000x128xf32, #tpu.memory_space<vmem>>, vector<1000x128xf32>
    tpu.vector_store %arg4[%swap3A, %swap3A_6], %slice3A {strides = array<i32>} : memref<1000x128xf32, #tpu.memory_space<vmem>>, vector<1000x128xf32>,
    %slice3A_8 = vector.extract_strided_slice %dot_general3A_5 {offsets = [0, 128], sizes = [1000, 128], strides = [1, 1]} : vector<1000x384xf32> to vector<1000x128xf32>
    %swap3A_9 = arith.constant 0 : index
    %swap3A_10 = arith.constant 0 : index
    %swap3A_11 = vector.load %arg5[%swap3A_9, %swap3A_10] : memref<1000x128xf32, #tpu.memory_space<vmem>>, vector<1000x128xf32>
    tpu.vector_store %arg5[%swap3A_9, %swap3A_10], %slice3A_8 {strides = array<i32>} : memref<1000x128xf32, #tpu.memory_space<vmem>>, vector<1000x128xf32>,
    %slice3A_12 = vector.extract_strided_slice %dot_general3A_5 {offsets = [0, 256], sizes = [1000, 128], strides = [1, 1]} : vector<1000x384xf32> to vector<1000x128xf32>
    %get3A_13 = arith.constant 0 : index
    %get3A_14 = arith.constant 0 : index
    %get3A_15 = vector.load %arg3[%get3A_13, %get3A_14] : memref<1x128xf32, #tpu.memory_space<vmem>>, vector<1x128xf32>
    %add3A = vector.broadcast %get3A_15 : vector<1x128xf32> to vector<1000x128xf32>
    %add3A_16 = arith.addf %slice3A_12, %add3A : vector<1000x128xf32>
    %swap3A_17 = arith.constant 0 : index
    %swap3A_18 = arith.constant 0 : index
    %swap3A_19 = vector.load %arg6[%swap3A_17, %swap3A_18] : memref<1000x128xf32, #tpu.memory_space<vmem>>, vector<1000x128xf32>
    tpu.vector_store %arg6[%swap3A_17, %swap3A_18], %add3A_16 {strides = array<i32>} : memref<1000x128xf32, #tpu.memory_space<vmem>>, vector<1000x128xf32>,
    return
  }
  func.func @transform_0(%arg0: i32) -> (i32, i32) {
    %c0_i32 = arith.constant 0 : i32
    %c0_i32_0 = arith.constant 0 : i32
    return %arg0, %c0_i32 : i32, i32
  }
  func.func @transform_1(%arg0: i32) -> (i32, i32) {
    %c0_i32 = arith.constant 0 : i32
    %c0_i32_0 = arith.constant 0 : i32
    %c0_i32_1 = arith.constant 0 : i32
    return %c0_i32, %c0_i32_0 : i32, i32
  }
  func.func @transform_2(%arg0: i32) -> (i32, i32) {
    %c0_i32 = arith.constant 0 : i32
    %c0_i32_0 = arith.constant 0 : i32
    %c0_i32_1 = arith.constant 0 : i32
    return %c0_i32, %c0_i32_0 : i32, i32
  }
  func.func @transform_3(%arg0: i32) -> (i32, i32) {
    %c0_i32 = arith.constant 0 : i32
    %c0_i32_0 = arith.constant 0 : i32
    return %arg0, %c0_i32 : i32, i32
  }
  func.func @transform_4(%arg0: i32) -> (i32, i32) {
    %c0_i32 = arith.constant 0 : i32
    %c0_i32_0 = arith.constant 0 : i32
    return %arg0, %c0_i32 : i32, i32
  }
  func.func @transform_5(%arg0: i32) -> (i32, i32) {
    %c0_i32 = arith.constant 0 : i32
    %c0_i32_0 = arith.constant 0 : i32
    return %arg0, %c0_i32 : i32, i32
  }
}

module attributes {stable_mosaic.version = 14 : i64} {
  func.func @_final_body(%arg0: i32, %arg1: memref<1000x128xf32, #tpu.memory_space<vmem>>, %arg2: memref<2x1000x128xf32, #tpu.memory_space<vmem>>, %arg3: memref<2x1000x128xf32, #tpu.memory_space<vmem>>, %arg4: memref<128x128xf32, #tpu.memory_space<vmem>>, %arg5: memref<1000x128xf32, #tpu.memory_space<vmem>>) attributes {dimension_semantics = [#tpu.dimension_semantics<arbitrary>], iteration_bounds = array<i64: 10>, scalar_prefetch = 0 : i64, scratch_operands = 0 : i64, tpu.core_type = #tpu.core_type<tc>, window_params = [{transform_indices = @transform_0, window_bounds = array<i64: 1000, 128>}, {transform_indices = @transform_1, window_bounds = array<i64: 2, 1000, 128>}, {transform_indices = @transform_2, window_bounds = array<i64: 2, 1000, 128>}, {pipeline_mode = #tpu.pipeline_mode<synchronous>, transform_indices = @transform_3, window_bounds = array<i64: 128, 128>}, {transform_indices = @transform_4, window_bounds = array<i64: 1000, 128>}]} {
    %get3A = arith.constant 0 : index
    %get3A_0 = arith.constant 0 : index
    %get3A_1 = vector.load %arg1[%get3A, %get3A_0] : memref<1000x128xf32, #tpu.memory_space<vmem>>, vector<1000x128xf32>
    %get3A_2 = arith.constant 0 : index
    %get3A_3 = arith.constant 0 : index
    %get3A_4 = arith.constant 0 : index
    %get3A_5 = vector.load %arg2[%get3A_2, %get3A_3, %get3A_4] : memref<2x1000x128xf32, #tpu.memory_space<vmem>>, vector<1x1000x128xf32>
    %get3A_6 = vector.shape_cast %get3A_5 : vector<1x1000x128xf32> to vector<1000x128xf32>
    %add3A = arith.addf %get3A_1, %get3A_6 : vector<1000x128xf32>
    %get3A_7 = arith.constant 1 : index
    %get3A_8 = arith.constant 0 : index
    %get3A_9 = arith.constant 0 : index
    %get3A_10 = vector.load %arg2[%get3A_7, %get3A_8, %get3A_9] : memref<2x1000x128xf32, #tpu.memory_space<vmem>>, vector<1x1000x128xf32>
    %get3A_11 = vector.shape_cast %get3A_10 : vector<1x1000x128xf32> to vector<1000x128xf32>
    %add3A_12 = arith.addf %add3A, %get3A_11 : vector<1000x128xf32>
    %get3A_13 = arith.constant 0 : index
    %get3A_14 = arith.constant 0 : index
    %get3A_15 = arith.constant 0 : index
    %get3A_16 = vector.load %arg3[%get3A_13, %get3A_14, %get3A_15] : memref<2x1000x128xf32, #tpu.memory_space<vmem>>, vector<1x1000x128xf32>
    %get3A_17 = vector.shape_cast %get3A_16 : vector<1x1000x128xf32> to vector<1000x128xf32>
    %get3A_18 = arith.constant 1 : index
    %get3A_19 = arith.constant 0 : index
    %get3A_20 = arith.constant 0 : index
    %get3A_21 = vector.load %arg3[%get3A_18, %get3A_19, %get3A_20] : memref<2x1000x128xf32, #tpu.memory_space<vmem>>, vector<1x1000x128xf32>
    %get3A_22 = vector.shape_cast %get3A_21 : vector<1x1000x128xf32> to vector<1000x128xf32>
    %add3A_23 = arith.addf %get3A_17, %get3A_22 : vector<1000x128xf32>
    %get3A_24 = arith.constant 0 : index
    %get3A_25 = arith.constant 0 : index
    %get3A_26 = vector.load %arg4[%get3A_24, %get3A_25] : memref<128x128xf32, #tpu.memory_space<vmem>>, vector<128x128xf32>
    %dot_general3A = arith.constant dense<0.000000e+00> : vector<1000x128xf32>
    %dot_general3A_27 = tpu.matmul %add3A_23, %get3A_26, %dot_general3A {dimension_numbers = #tpu.dot_dimension_numbers<[1], [0], [0], [1], [0, 0, 1, 1], [], []>, transpose_lhs_hint = false} : vector<1000x128xf32>, vector<128x128xf32>, vector<1000x128xf32> -> vector<1000x128xf32>
    %add3A_28 = arith.addf %add3A_12, %dot_general3A_27 : vector<1000x128xf32>
    %max3A = arith.constant 0.000000e+00 : f32
    %max3A_29 = vector.broadcast %max3A : f32 to vector<1000x128xf32>
    %max3A_30 = arith.maximumf %add3A_28, %max3A_29 : vector<1000x128xf32>
    %swap3A = arith.constant 0 : index
    %swap3A_31 = arith.constant 0 : index
    %swap3A_32 = vector.load %arg5[%swap3A, %swap3A_31] : memref<1000x128xf32, #tpu.memory_space<vmem>>, vector<1000x128xf32>
    tpu.vector_store %arg5[%swap3A, %swap3A_31], %max3A_30 {strides = array<i32>} : memref<1000x128xf32, #tpu.memory_space<vmem>>, vector<1000x128xf32>,
    return
  }
  func.func @transform_0(%arg0: i32) -> (i32, i32) {
    %c0_i32 = arith.constant 0 : i32
    %c0_i32_0 = arith.constant 0 : i32
    return %arg0, %c0_i32 : i32, i32
  }
  func.func @transform_1(%arg0: i32) -> (i32, i32, i32) {
    %c0_i32 = arith.constant 0 : i32
    %c0_i32_0 = arith.constant 0 : i32
    %c0_i32_1 = arith.constant 0 : i32
    return %c0_i32, %arg0, %c0_i32_0 : i32, i32, i32
  }
  func.func @transform_2(%arg0: i32) -> (i32, i32, i32) {
    %c0_i32 = arith.constant 0 : i32
    %c0_i32_0 = arith.constant 0 : i32
    %c0_i32_1 = arith.constant 0 : i32
    return %c0_i32, %arg0, %c0_i32_0 : i32, i32, i32
  }
  func.func @transform_3(%arg0: i32) -> (i32, i32) {
    %c0_i32 = arith.constant 0 : i32
    %c0_i32_0 = arith.constant 0 : i32
    %c0_i32_1 = arith.constant 0 : i32
    return %c0_i32, %c0_i32_0 : i32, i32
  }
  func.func @transform_4(%arg0: i32) -> (i32, i32) {
    %c0_i32 = arith.constant 0 : i32
    %c0_i32_0 = arith.constant 0 : i32
    return %arg0, %c0_i32 : i32, i32
  }
}

</mosaic_0001>

<sc_bundles>
// kernel: kernel.6.cloned.1.call-start
scs
__scs_entry_jumppad:
0x0: {  	(pc) =	sbr.rel $0x88, $3  }
0x1: {  	(tag) =	ssettag $0x0;
	lr =	simm.s32 $0x1  }
0x2: {  	[smem:$0x3F96] =	sst lr;
	_ =	strace $0xD0000000  }
0x3: {  	_ = 	snop  }
0x4: {  	_ = 	snop  }
0x5: {  	_ = 	snop  }
0x6: {  	_ = 	snop  }
0x7: {  	_ = 	snop  }
__scs_overlays_trampoline_lowered:
0x8: {  	[smem:$0x3FA5] =	sst s0  }
0x9: {  	[smem:$0x3FA6] =	sst s1  }
0xa: {  	[smem:$0x3FA7] =	sst s2  }
0xb: {  	[smem:$0x3FA8] =	sst s3  }
0xc: {  	[smem:$0x3FA9] =	sst s4  }
0xd: {  	[smem:$0x3FAA] =	sst s5  }
0xe: {  	[smem:$0x3FAB] =	sst s6  }
0xf: {  	[smem:$0x3FAC] =	sst s7  }
0x10: {  	[smem:$0x3FAD] =	sst s8  }
0x11: {  	[smem:$0x3FAE] =	sst s9;
	s0 =	simm.s32 @!p0 $0x0  }
0x12: {  	s1 =	sld [smem:$0x3F94];
	s0 =	simm.s32 @p0 $0x1  }
0x13: {  	[smem:$0x3FAF] =	sst s0;
	s0 =	simm.s32 @!p1 $0x0  }
0x14: {  	s2 =	sld [smem:$0x3F93];
	s0 =	simm.s32 @p1 $0x1  }
0x15: {  	[smem:$0x3FB0] =	sst s0;
	s0 =	simm.s32 @!p2 $0x0  }
0x16: {  	s3 =	sld [smem:$0x3FDB];
	s0 =	simm.s32 @p2 $0x1  }
0x17: {  	s4 =	simm.s32 $0x1BF5;
	[smem:$0x3FB2] =	sst s0  }
0x18: {  	s0 =	sld [smem:$0x3F95];
	_ =	swait.ge [sflag:s4], $0x0  }
0x19: {  	s7 =	sld [smem:$0x3F96]  }
0x1a: {  	s8 =	sadd.s32 $0xFFFFE003, lr  }
0x1b: {  	s9 =	sadd.s32 $0xFFFFFEF7, lr;
	s5 =	simm.s32 $0xFFFFFFFF;
	p2 =	slt.u32 s8, $0xFFFFF086  }
0x1c: {  	p1 =	slt.u32 s9, $0xF7A;
	s5 =	simm.s32 @!p2 $0x0  }
0x1d: {  	s5 =	simm.s32 @p1 $0x1;
	p0 =	seq.s32 s7, s2  }
0x1e: {  	s7 =	smul.u32 @!p0 $0xF7A, s2;
	p2 =	seq.s32 @!p0 s5, $0x0  }
0x1f: {  	s9 =	smul.u32 $0xF7A, s1;
	s8 =	simm.s32 @!p0 $0x1BF5;
	p2 =	por !p2, p0  }
0x20: {  	[sflag:s8] =	ssyncset.s32 @!p0 $0xFFFFF086;
	s6 =	sadd.s32 @!p0 s3, s7;
	s7 =	simm.s32 @!p0 $0x108  }
0x21: {  	s3 =	sadd.s32 s3, s9;
	s6 =	sadd.s32 @!p0 $0x88, s6;
	s7 =	simm.s32 @p2 $0x1082  }
0x22: {  	[simem:s7], [sflag:s8] =	dma.local @!p0 [hbm:s6], $0xF7A  }
0x23: {  	s9 =	sor.u32 $0xD0000000, s2;
	s6 =	simm.s32 $0x108;
	_ =	swait.ge @!p0 [sflag:s8], $0x0  }
0x24: {  	s3 =	sadd.s32 $0x88, s3;
	s6 =	simm.s32 @!p1 $0x1082;
	[sflag:s4] =	ssyncset.s32 $0xFFFFF086  }
0x25: {  	[simem:s6], [sflag:s4] =	dma.local [hbm:s3], $0xF7A  }
0x26: {  	[smem:$0x3F96] =	sst s1;
	(tag) =	ssettag s2;
	_ =	strace s9  }
0x27: {  	s1 =	sld [smem:$0x3FA6]  }
0x28: {  	s2 =	sld [smem:$0x3FA7]  }
0x29: {  	s4 =	sld [smem:$0x3FA9]  }
0x2a: {  	p0 =	seq.s32 s5, $0x0;
	s5 =	sld [smem:$0x3FAA]  }
0x2b: {  	s6 =	sld [smem:$0x3FAB]  }
0x2c: {  	s7 =	sld [smem:$0x3FAC]  }
0x2d: {  	s3 =	simm.s32 $0x108;
	s8 =	sld [smem:$0x3FAD]  }
0x2e: {  	s3 =	simm.s32 @!p0 $0x1082;
	s9 =	sld [smem:$0x3FAE]  }
0x2f: {  	lr =	sadd.s32 s0, s3;
	s0 =	sld [smem:$0x3FA5]  }
0x30: {  	s3 =	sld [smem:$0x3FA8]  }
0x31: {  	[smem:$0x3FB1] =	sst s10  }
0x32: {  	s10 =	sld [smem:$0x3FAF];
	_ =	sdelay $0x3  }
0x33: {  	p0 =	seq.s32 s10, $0x1;
	s10 =	sld [smem:$0x3FB1];
	_ =	sdelay $0x3  }
0x34: {  	[smem:$0x3FB1] =	sst s10  }
0x35: {  	s10 =	sld [smem:$0x3FB0];
	_ =	sdelay $0x3  }
0x36: {  	p1 =	seq.s32 s10, $0x1;
	s10 =	sld [smem:$0x3FB1];
	_ =	sdelay $0x3  }
0x37: {  	[smem:$0x3FB1] =	sst s10  }
0x38: {  	s10 =	sld [smem:$0x3FB2]  }
0x39: {  	_ = 	snop;
	(pc) =	sbr.ind lr, $3  }
0x3a: {  	_ = 	snop  }
0x3b: {  	_ = 	snop  }
0x3c: {  	p2 =	seq.s32 s10, $0x1;
	s10 =	sld [smem:$0x3FB1]  }
0x3d: {  	_ =	shalt  }
0x3e: {  	_ =	shalt  }
0x3f: {  	_ =	shalt  }
0x40: {  	_ =	shalt  }
0x41: {  	_ =	shalt  }
0x42: {  	_ =	shalt  }
0x43: {  	_ =	shalt  }
0x44: {  	_ =	shalt  }
0x45: {  	_ =	shalt  }
0x46: {  	_ =	shalt  }
0x47: {  	_ =	shalt  }
0x48: {  	_ =	shalt  }
0x49: {  	_ =	shalt  }
0x4a: {  	_ =	shalt  }
0x4b: {  	_ =	shalt  }
0x4c: {  	_ =	shalt  }
0x4d: {  	_ =	shalt  }
0x4e: {  	_ =	shalt  }
0x4f: {  	_ =	shalt  }
0x50: {  	_ =	shalt  }
0x51: {  	_ =	shalt  }
0x52: {  	_ =	shalt  }
0x53: {  	_ =	shalt  }
0x54: {  	_ =	shalt  }
0x55: {  	_ =	shalt  }
0x56: {  	_ =	shalt  }
0x57: {  	_ =	shalt  }
0x58: {  	_ =	shalt  }
0x59: {  	_ =	shalt  }
0x5a: {  	_ =	shalt  }
0x5b: {  	_ =	shalt  }
0x5c: {  	_ =	shalt  }
0x5d: {  	_ =	shalt  }
0x5e: {  	_ =	shalt  }
0x5f: {  	_ =	shalt  }
0x60: {  	_ =	shalt  }
0x61: {  	_ =	shalt  }
0x62: {  	_ =	shalt  }
0x63: {  	_ =	shalt  }
0x64: {  	_ =	shalt  }
0x65: {  	_ =	shalt  }
0x66: {  	_ =	shalt  }
0x67: {  	_ =	shalt  }
0x68: {  	_ =	shalt  }
0x69: {  	_ =	shalt  }
0x6a: {  	_ =	shalt  }
0x6b: {  	_ =	shalt  }
0x6c: {  	_ =	shalt  }
0x6d: {  	_ =	shalt  }
0x6e: {  	_ =	shalt  }
0x6f: {  	_ =	shalt  }
0x70: {  	_ =	shalt  }
0x71: {  	_ =	shalt  }
0x72: {  	_ =	shalt  }
0x73: {  	_ =	shalt  }
0x74: {  	_ =	shalt  }
0x75: {  	_ =	shalt  }
0x76: {  	_ =	shalt  }
0x77: {  	_ =	shalt  }
0x78: {  	_ =	shalt  }
0x79: {  	_ =	shalt  }
0x7a: {  	_ =	shalt  }
0x7b: {  	_ =	shalt  }
0x7c: {  	_ =	shalt  }
0x7d: {  	_ =	shalt  }
0x7e: {  	_ =	shalt  }
0x7f: {  	_ =	shalt  }
0x80: {  	_ =	shalt  }
0x81: {  	_ =	shalt  }
0x82: {  	_ =	shalt  }
0x83: {  	_ =	shalt  }
0x84: {  	_ =	shalt  }
0x85: {  	_ =	shalt  }
0x86: {  	_ =	shalt  }
0x87: {  	_ =	shalt  }
.Lfunc_end0:
.L_simem_size_0:
called_computation_lowered:
.L_overlay_start_0:
0x88: {  	s2 =	sld [smem:$0x3FD9]  }
0x89: {  	s3 =	sld [smem:$0x3FFE];
	_ =	sdelay $0x1  }
0x8a: {  	s1 =	srdreg.scid  }
0x8b: {  	s0 =	sand.u32 $0x1, s1  }
0x8c: {  	s17 =	sshll.u32 s0, $0xA;
	s2 =	sadd.s32 s3, s2  }
0x8d: {  	s2 =	sadd.s32 s2, s17  }
0x8e: {  	[smem:$0x3FBD] =	sst s2  }
0x8f: {  	_ = 	snop  }
0x90: {  	s2 =	sld [smem:$0x3FC8]  }
0x91: {  	s18 =	sld [smem:$0x3FC7]  }
0x92: {  	s4 =	sld [smem:$0x3FC6]  }
0x93: {  	s5 =	sld [smem:$0x3FC5];
	(tm) =	ssettm $0x1  }
0x94: {  	s6 =	sld [smem:$0x3FFB];
	_ =	sdelay $0x3  }
0x95: {  	_ =	strace s6  }
0x96: {  	s6 =	sld [smem:$0x3FFC];
	_ =	sdelay $0x3  }
0x97: {  	_ =	strace s6  }
0x98: {  	s6 =	sld [smem:$0x3FFD];
	_ =	sdelay $0x3  }
0x99: {  	_ =	strace s6  }
0x9a: {  	_ =	strace $0x8FFFFFFF  }
0x9b: {  	s19 =	sld [smem:$0x3FDB];
	_ =	sdelay $0x1  }
0x9c: {  	s7 =	simm.s32 $_scs_section_size  }
0x9d: {  	s8 =	simm.s32 $_size__tile_overlayer_lowered;
	s9 =	simm.s32 $_tile_overlayer_lowered  }
0x9e: {  	s22 =	simm.s32 $0x1BFF;
	s21 =	sshll.u32 s9, $0x1;
	s6 =	sadd.s32 s7, s19  }
0x9f: {  	s10 =	simm.s32 $0x0;
	s20 =	sshll.u32 s8, $0x1;
	s8 =	sadd.s32 s21, s6  }
0xa0: {  	[timem:s10], [sflag:s22] =	dma.local [hbm:s8], s20  }
0xa1: {  	_ =	swait.ge [sflag:s22], s20  }
0xa2: {  	s7 =	ssub.s32 $0x0, s20;
	[sflag:s22] =	ssyncset.done $0x0  }
0xa3: {  	[sflag:s22] =	ssyncadd.s32 s7;
	_ =	sdelay $0x1  }
0xa4: {  	s23 =	simm.s32 $0x1B8B  }
0xa5: {  	_ =	swait.ge [sflag:s23], $0x1  }
0xa6: {  	[sflag:s23] =	ssyncset.done $0x0  }
0xa7: {  	s25 =	simm.s32 $0x1B8E;
	s24 =	sld [smem:$0x3FFE];
	[sflag:s23] =	ssyncadd.s32 $0xFFFFFFFF  }
0xa8: {  	s26 =	simm.s32 $execute0_lowered;
	[smem:$0x3FD2] =	sst s25  }
0xa9: {  	s8 =	sshll.u32 s26, $0x1;
	_ =	strace $0x80000046;
	[dreg:$0x1] =	wrdreg $0xFFFFFFFF  }
0xaa: {  	s28 =	simm.s32 $_size_execute0_lowered;
	s6 =	sadd.s32 s6, s8;
	[dreg:$0x0] =	wrdreg $0x0  }
0xab: {  	s8 =	sshll.u32 s28, $0x1;
	[dreg:$0x2] =	wrdreg s6  }
0xac: {  	[dreg:$0x3] =	wrdreg s8  }
0xad: {  	[dreg:$0x4] =	wrdreg $0xC0  }
0xae: {  	_ =	task [dreg:s10], $0x5FFFF  }
0xaf: {  	[dreg:$0x1] =	wrdreg $0xFFFFFFFF  }
0xb0: {  	[dreg:$0x0] =	wrdreg $0x60  }
0xb1: {  	[dreg:$0x2] =	wrdreg s24  }
0xb2: {  	[dreg:$0x3] =	wrdreg s2  }
0xb3: {  	[dreg:$0x4] =	wrdreg s18  }
0xb4: {  	[dreg:$0x5] =	wrdreg s4  }
0xb5: {  	[dreg:$0x6] =	wrdreg s5  }
0xb6: {  	[dreg:$0x7] =	wrdreg $0x82000  }
0xb7: {  	[dreg:$0x8] =	wrdreg $0x9  }
0xb8: {  	_ =	task.clear_ibuf [dreg:s10], $0x9FFFF;
	_ =	strace $0x90000046  }
0xb9: {  	s29 =	simm.s32 $0x9;
	_ =	strace $0x80000048  }
0xba: {  	_ =	swait.ge [sflag:s29], $0x1  }
0xbb: {  	[sflag:s29] =	ssyncadd.s32 $0xFFFFFFFF  }
0xbc: {  	_ =	strace $0x90000048  }
0xbd: {  	_ =	sfence  }
0xbe: {  	s30 =	sld [smem:$0x0];
	_ =	sdelay $0x2  }
0xbf: {  	s31 =	sshll.u32 s1, $0xD;
	s1 =	sshrl.u32 s1, $0x2  }
0xc0: {  	s3 =	sand.u32 $0x4000, s31;
	s1 =	sadd.s32 s1, s30  }
0xc1: {  	s0 =	sor.u32 s3, s0;
	s1 =	sshll.u32 s1, $0x11  }
0xc2: {  	s0 =	sor.u32 s1, s0  }
0xc3: {  	s0 =	sadd.s32 $0x8F2B, s0  }
0xc4: {  	[sflag:s0] =	ssyncadd.remote.s32 $0x1  }
0xc5: {  	_ =	sfence.sel $0xFFFF  }
0xc6: {  	[dreg:$0x0] =	wrdreg $0xFFFFFFFF;
	(pc) =	sbr.abs _section_cstart, $3  }
0xc7: {  	[dreg:$0x1] =	wrdreg $0xFFFFFFFF  }
0xc8: {  	_ =	task.clear_ibuf [dreg:s10], $0x2FFFF;
	_ =	strace $0x9FFFFFFF  }
0xc9: {  	(tm) =	ssettm $0x7FFFFFFF  }
tec
execute0_lowered:
.L_overlay_start_1:
0x0: {  	(tag) =	ssettag $0x1  }
0x1: {  	s0 =	rddreg [dreg:$0x0]  }
0x2: {  	s19 =	rddreg [dreg:$0x1]  }
0x3: {  	s17 =	rddreg [dreg:$0x2]  }
0x4: {  	s22 =	rddreg [dreg:$0x3]  }
0x5: {  	s20 =	rddreg [dreg:$0x4]  }
0x6: {  	s2 =	rddreg [dreg:$0x5]  }
0x7: {  	s4 =	srdreg.scid;
	s1 =	stileid.u32;
	s3 =	simm.s32 $0x0  }
0x8: {  	s28 =	simm.s32 $0x0;
	s21 =	sand.u32 $0x1, s4;
	s6 =	smul.u32 $0x280, s1  }
0x9: {  	[smem:$0x7FF] =	sst s3;
	s4 =	sadd.s32 $0x3800, s0;
	s5 =	sadd.s32 $0x2AA00, s0  }
0xa: {  	s8 =	smul.u32 $0x50000, s1;
	s10 =	sadd.s32 $0x51C00, s0;
	s23 =	sshll.u32 s1, $0x1  }
0xb: {  	s24 =	sshll.u32 s1, $0x5;
	s7 =	smul.u32 $0x2800, s21;
	_ =	strace $0x80000047  }
0xc: {  	[dreg:$0x7] =	wrdreg s10;
	s9 =	ssub.s32 $0x2, s21;
	s16 =	sadd.s32 s24, s17  }
0xd: {  	s25 =	sshll.u32 s21, $0x4;
	s26 =	sadd.s32 s24, s19;
	s29 =	sor.u32 s21, s23  }
0xe: {  	s30 =	sadd.s32 s24, s20;
	s31 =	sadd.s32 s24, s22;
	s23 =	simm.s32 $0x100  }
0xf: {  	s24 =	simm.s32 $0x3;
	s11 =	sshrl.u32 s9, $0x1;
	s8 =	sshrl.u32 s8, $0x2  }
0x10: {  	s19 =	sadd.s32 s25, s26;
	s20 =	sor.u32 $0x20, s29;
	s7 =	sadd.s32 s6, s7  }
0x11: {  	s21 =	sadd.s32 s25, s30;
	s22 =	sadd.s32 s25, s31;
	s7 =	sshll.u32 s7, $0x4  }
0x12: {  	s26 =	simm.s32 $0x80;
	s18 =	ssub.s32 s9, s11;
	s0 =	sadd.s32 s7, s0  }
0x13: {  	s17 =	smax.u32 s18, $0x1;
	s18 =	sadd.s32 s25, s16;
	s12 =	sadd.s32 $0x52400, s0  }
0x14: {  	s25 =	simm.s32 $0x4;
	s13 =	sadd.s32 $0x52C00, s0;
	[dreg:$0x8] =	wrdreg s12  }
0x15: {  	s7 =	sadd.s32 s8, s2;
	s14 =	sadd.s32 $0x53400, s0;
	[dreg:$0x9] =	wrdreg s13  }
0x16: {  	s8 =	sadd.s32 $0x4000, s7;
	s15 =	sadd.s32 $0x53C00, s0;
	[dreg:$0xa] =	wrdreg s14  }
0x17: {  	s9 =	sadd.s32 $0x8000, s7;
	s0 =	sadd.s32 $0x54400, s0;
	[dreg:$0xb] =	wrdreg s15  }
0x18: {  	s10 =	sadd.s32 $0xC000, s7;
	s11 =	sadd.s32 $0x10000, s7;
	[dreg:$0xc] =	wrdreg s0  }
.LBB2_1:
0x19: {  	s0 =	rddreg [dreg:$0x7]  }
0x1a: {  	[tilespmem:s23], [sflag:$0x3] =	stream.linear.gather [hbm4b:s0+s3], $0x4000, $0x38;
	[tilespmem:$0x1C200] =	vst v63  }
0x1b: {  	_ =	swait.ge [sflag:s24], $0x4000  }
0x1c: {  	[sflag:s24] =	ssyncset.done $0x0  }
0x1d: {  	[sflag:s24] =	ssyncadd.s32 $0xFFFFC000  }
0x1e: {  	[spmem:s7] =	stream.linear.scatter [tilespmem:s23], [sflag:$0x3], $0x4000, $0x38;
	[tilespmem:$0x1C200] =	vst v63  }
0x1f: {  	_ =	swait.ge [sflag:s24], $0x4000  }
0x20: {  	[sflag:s24] =	ssyncset.done $0x0  }
0x21: {  	[sflag:s24] =	ssyncadd.s32 $0xFFFFC000  }
0x22: {  	[spmem:s8] =	stream.linear.scatter [tilespmem:s23], [sflag:$0x3], $0x4000, $0x38;
	[tilespmem:$0x1C200] =	vst v63  }
0x23: {  	_ =	swait.ge [sflag:s24], $0x4000  }
0x24: {  	[sflag:s24] =	ssyncset.done $0x0  }
0x25: {  	[sflag:s24] =	ssyncadd.s32 $0xFFFFC000  }
0x26: {  	[spmem:s9] =	stream.linear.scatter [tilespmem:s23], [sflag:$0x3], $0x4000, $0x38;
	[tilespmem:$0x1C200] =	vst v63  }
0x27: {  	_ =	swait.ge [sflag:s24], $0x4000  }
0x28: {  	[sflag:s24] =	ssyncset.done $0x0  }
0x29: {  	[sflag:s24] =	ssyncadd.s32 $0xFFFFC000  }
0x2a: {  	[spmem:s10] =	stream.linear.scatter [tilespmem:s23], [sflag:$0x3], $0x4000, $0x38;
	[tilespmem:$0x1C200] =	vst v63  }
0x2b: {  	_ =	swait.ge [sflag:s24], $0x4000  }
0x2c: {  	[sflag:s24] =	ssyncset.done $0x0  }
0x2d: {  	[sflag:s24] =	ssyncadd.s32 $0xFFFFC000  }
0x2e: {  	[spmem:s11] =	stream.linear.scatter [tilespmem:s23], [sflag:$0x3], $0x4000, $0x38;
	[tilespmem:$0x1C200] =	vst v63  }
0x2f: {  	_ =	swait.ge [sflag:s24], $0x4000  }
0x30: {  	[sflag:s24] =	ssyncset.done $0x0  }
0x31: {  	[sflag:s24] =	ssyncadd.s32 $0xFFFFC000  }
0x32: {  	s15 =	sadd.s32 $0x0, s19;
	[bflag:$0x0] =	sbarrier.arrive $0xFFFF  }
0x33: {  	[tilespmem:s3], [sflag:$0x4] =	stream.linear.gather [hbm4b:s15+s3], $0x80, $0x38;
	[tilespmem:$0x1C200] =	vst v63  }
0x34: {  	_ =	swait.ge [sflag:s25], $0x80  }
0x35: {  	[sflag:s25] =	ssyncset.done $0x0  }
0x36: {  	s16 =	sadd.s32 $0x0, s18;
	[sflag:s25] =	ssyncadd.s32 $0xFFFFFF80  }
0x37: {  	[tilespmem:s26], [sflag:$0x4] =	stream.linear.gather [hbm4b:s16+s3], $0x80, $0x38;
	[tilespmem:$0x1C200] =	vst v63  }
0x38: {  	_ =	swait.ge [sflag:s25], $0x80  }
0x39: {  	p0 =	sgt.u32 s20, $0x4E1;
	[sflag:s25] =	ssyncset.done $0x0  }
0x3a: {  	s0 =	simm.s32 @p0 $0x1;
	[sflag:s25] =	ssyncadd.s32 $0xFFFFFF80  }
0x3b: {  	[tilespmem:s23], [sflag:$0x1] =	stream.indirect.gather [hbm4b:s4+s26], $0x80, s3, s26, $0xb8;
	[tilespmem:$0x1C200] =	vst v63  }
0x3c: {  	_ =	swait.ge @p0 [sflag:s0], $0x4000  }
0x3d: {  	s29 =	sadd.s32 @!p0 $0x0, s19;
	s30 =	simm.s32 @p0 $0x80;
	[sflag:s0] =	ssyncset.done @p0 $0x0  }
0x3e: {  	s31 =	simm.s32 @p0 $0x100;
	s29 =	sadd.s32 @!p0 $0x200, s29;
	[sflag:s0] =	ssyncadd.s32 @p0 $0xFFFFC000  }
0x3f: {  	[spmem:s2] =	stream.indirect.scatter.add.f32 @p0 [tilespmem:s31], [sflag:$0x3], $0x80, s30, s30, $0xb8;
	[tilespmem:$0x1C200] =	vst v63  }
0x40: {  	s0 =	simm.s32 @!p0 $0x4;
	s30 =	simm.s32 @!p0 $0x0;
	s31 =	simm.s32 @!p0 $0x4100  }
0x41: {  	[tilespmem:s31], [sflag:$0x4] =	stream.linear.gather @!p0 [hbm4b:s29+s30], $0x80, $0x38;
	[tilespmem:$0x1C200] =	vst v63  }
0x42: {  	_ =	swait.ge @!p0 [sflag:s0], $0x80  }
0x43: {  	s29 =	sadd.s32 @!p0 $0x0, s18;
	[sflag:s0] =	ssyncset.done @!p0 $0x0  }
0x44: {  	s1 =	simm.s32 @!p0 $0x4180;
	s29 =	sadd.s32 @!p0 $0x200, s29;
	[sflag:s0] =	ssyncadd.s32 @!p0 $0xFFFFFF80  }
0x45: {  	[tilespmem:s1], [sflag:$0x4] =	stream.linear.gather @!p0 [hbm4b:s29+s30], $0x80, $0x38;
	[tilespmem:$0x1C200] =	vst v63  }
0x46: {  	_ =	swait.ge @!p0 [sflag:s0], $0x80  }
0x47: {  	s6 =	simm.s32 @!p0 $0x1;
	[sflag:s0] =	ssyncset.done @!p0 $0x0  }
0x48: {  	s29 =	simm.s32 @!p0 $0x80;
	s30 =	simm.s32 @!p0 $0x4200;
	[sflag:s0] =	ssyncadd.s32 @!p0 $0xFFFFFF80  }
0x49: {  	[tilespmem:s30], [sflag:$0x2] =	stream.indirect.gather @!p0 [hbm4b:s4+s29], $0x80, s31, s29, $0xb8;
	[tilespmem:$0x1C200] =	vst v63  }
0x4a: {  	_ =	swait.ge @!p0 [sflag:s6], $0x4000  }
0x4b: {  	[sflag:s6] =	ssyncset.done @!p0 $0x0  }
0x4c: {  	s31 =	simm.s32 @!p0 $0x100;
	[sflag:s6] =	ssyncadd.s32 @!p0 $0xFFFFC000  }
0x4d: {  	[spmem:s2] =	stream.indirect.scatter.add.f32 @!p0 [tilespmem:s31], [sflag:$0x4], $0x80, s29, s29, $0xb8;
	[tilespmem:$0x1C200] =	vst v63  }
0x4e: {  	_ =	swait.ge @!p0 [sflag:s0], $0x4000  }
0x4f: {  	[sflag:s0] =	ssyncset.done @!p0 $0x0  }
0x50: {  	s6 =	simm.s32 @!p0 $0x2;
	[sflag:s0] =	ssyncadd.s32 @!p0 $0xFFFFC000  }
0x51: {  	_ =	swait.ge @!p0 [sflag:s6], $0x4000  }
0x52: {  	[sflag:s6] =	ssyncset.done @!p0 $0x0  }
0x53: {  	s31 =	simm.s32 $0x800;
	s0 =	simm.s32 @p0 $0x3;
	[sflag:s6] =	ssyncadd.s32 @!p0 $0xFFFFC000  }
0x54: {  	[spmem:s2] =	stream.indirect.scatter.add.f32 @!p0 [tilespmem:s30], [sflag:$0x4], $0x80, s1, s29, $0xb8;
	[tilespmem:$0x1C200] =	vst v63  }
0x55: {  	s29 =	simm.s32 $0x400;
	s30 =	sadd.s32 $0x40, s20;
	_ =	swait.ge [sflag:s0], $0x4000  }
.LBB2_2:
0x56: {  	s1 =	sadd.s32 s29, s19  }
0x57: {  	[sflag:s0] =	ssyncset.done $0x0;
	s6 =	smov.u32 s31;
	s31 =	sadd.s32 $0x400, s31  }
0x58: {  	p1 =	sne.s32 s31, $0x5000;
	[sflag:s0] =	ssyncadd.s32 $0xFFFFC000  }
0x59: {  	[tilespmem:s3], [sflag:$0x4] =	stream.linear.gather [hbm4b:s1+s3], $0x80, $0x38;
	[tilespmem:$0x1C200] =	vst v63  }
0x5a: {  	_ =	swait.ge [sflag:s25], $0x80  }
0x5b: {  	s0 =	sadd.s32 s29, s18;
	[sflag:s25] =	ssyncset.done $0x0  }
0x5c: {  	[sflag:s25] =	ssyncadd.s32 $0xFFFFFF80  }
0x5d: {  	[tilespmem:s26], [sflag:$0x4] =	stream.linear.gather [hbm4b:s0+s3], $0x80, $0x38;
	[tilespmem:$0x1C200] =	vst v63  }
0x5e: {  	_ =	swait.ge [sflag:s25], $0x80  }
0x5f: {  	p2 =	sgt.u32 s30, $0x4E1;
	[sflag:s25] =	ssyncset.done $0x0  }
0x60: {  	s1 =	sadd.s32 @!p2 s29, s19;
	s0 =	simm.s32 @p2 $0x1;
	[sflag:s25] =	ssyncadd.s32 $0xFFFFFF80  }
0x61: {  	[tilespmem:s23], [sflag:$0x1] =	stream.indirect.gather [hbm4b:s4+s26], $0x80, s3, s26, $0xb8;
	[tilespmem:$0x1C200] =	vst v63  }
0x62: {  	s29 =	sadd.s32 @!p2 s29, s18;
	s1 =	sadd.s32 @!p2 $0x200, s1;
	_ =	swait.ge @p2 [sflag:s0], $0x4000  }
0x63: {  	s12 =	simm.s32 @p2 $0x80;
	s13 =	simm.s32 @p2 $0x100;
	[sflag:s0] =	ssyncset.done @p2 $0x0  }
0x64: {  	s14 =	simm.s32 @!p2 $0x0;
	s15 =	simm.s32 @!p2 $0x4100;
	[sflag:s0] =	ssyncadd.s32 @p2 $0xFFFFC000  }
0x65: {  	[spmem:s2] =	stream.indirect.scatter.add.f32 @p2 [tilespmem:s13], [sflag:$0x3], $0x80, s12, s12, $0xb8;
	[tilespmem:$0x1C200] =	vst v63  }
0x66: {  	s0 =	simm.s32 @!p2 $0x4;
	s12 =	sadd.s32 @!p2 $0x200, s29;
	s29 =	smov.u32 s6  }
0x67: {  	[tilespmem:s15], [sflag:$0x4] =	stream.linear.gather @!p2 [hbm4b:s1+s14], $0x80, $0x38;
	[tilespmem:$0x1C200] =	vst v63  }
0x68: {  	_ =	swait.ge @!p2 [sflag:s0], $0x80  }
0x69: {  	s1 =	simm.s32 @!p2 $0x4180;
	[sflag:s0] =	ssyncset.done @!p2 $0x0  }
0x6a: {  	[sflag:s0] =	ssyncadd.s32 @!p2 $0xFFFFFF80  }
0x6b: {  	[tilespmem:s1], [sflag:$0x4] =	stream.linear.gather @!p2 [hbm4b:s12+s14], $0x80, $0x38;
	[tilespmem:$0x1C200] =	vst v63  }
0x6c: {  	_ =	swait.ge @!p2 [sflag:s0], $0x80  }
0x6d: {  	s6 =	simm.s32 @!p2 $0x80;
	s12 =	simm.s32 @!p2 $0x4200;
	[sflag:s0] =	ssyncset.done @!p2 $0x0  }
0x6e: {  	s13 =	simm.s32 @!p2 $0x1;
	[sflag:s0] =	ssyncadd.s32 @!p2 $0xFFFFFF80  }
0x6f: {  	[tilespmem:s12], [sflag:$0x2] =	stream.indirect.gather @!p2 [hbm4b:s4+s6], $0x80, s15, s6, $0xb8;
	[tilespmem:$0x1C200] =	vst v63  }
0x70: {  	_ =	swait.ge @!p2 [sflag:s13], $0x4000  }
0x71: {  	s14 =	simm.s32 @!p2 $0x100;
	[sflag:s13] =	ssyncset.done @!p2 $0x0  }
0x72: {  	[sflag:s13] =	ssyncadd.s32 @!p2 $0xFFFFC000  }
0x73: {  	[spmem:s2] =	stream.indirect.scatter.add.f32 @!p2 [tilespmem:s14], [sflag:$0x4], $0x80, s6, s6, $0xb8;
	[tilespmem:$0x1C200] =	vst v63  }
0x74: {  	_ =	swait.ge @!p2 [sflag:s0], $0x4000  }
0x75: {  	s13 =	simm.s32 @!p2 $0x2;
	[sflag:s0] =	ssyncset.done @!p2 $0x0  }
0x76: {  	[sflag:s0] =	ssyncadd.s32 @!p2 $0xFFFFC000  }
.Ltmp0:
0x77: {  	_ =	swait.ge @!p2 [sflag:s13], $0x4000;
	(pc) =	sbr.rel @p1 .LBB2_2-.Ltmp0, $4  }
0x78: {  	[sflag:s13] =	ssyncset.done @!p2 $0x0  }
0x79: {  	s0 =	simm.s32 @p2 $0x3;
	[sflag:s13] =	ssyncadd.s32 @!p2 $0xFFFFC000  }
0x7a: {  	[spmem:s2] =	stream.indirect.scatter.add.f32 @!p2 [tilespmem:s12], [sflag:$0x4], $0x80, s1, s6, $0xb8;
	[tilespmem:$0x1C200] =	vst v63  }
0x7b: {  	s30 =	sadd.s32 $0x40, s30;
	_ =	swait.ge [sflag:s0], $0x4000  }
0x7c: {  	[sflag:s0] =	ssyncset.done $0x0  }
0x7d: {  	s1 =	sadd.s32 s29, s19;
	[sflag:s0] =	ssyncadd.s32 $0xFFFFC000  }
0x7e: {  	[tilespmem:s3], [sflag:$0x4] =	stream.linear.gather [hbm4b:s1+s3], $0x80, $0x38;
	[tilespmem:$0x1C200] =	vst v63  }
0x7f: {  	_ =	swait.ge [sflag:s25], $0x80  }
0x80: {  	[sflag:s25] =	ssyncset.done $0x0  }
0x81: {  	s14 =	sadd.s32 s29, s18;
	[sflag:s25] =	ssyncadd.s32 $0xFFFFFF80  }
0x82: {  	[tilespmem:s26], [sflag:$0x4] =	stream.linear.gather [hbm4b:s14+s3], $0x80, $0x38;
	[tilespmem:$0x1C200] =	vst v63  }
0x83: {  	_ =	swait.ge [sflag:s25], $0x80  }
0x84: {  	p1 =	sgt.u32 s30, $0x4E1;
	[sflag:s25] =	ssyncset.done $0x0  }
0x85: {  	s0 =	simm.s32 @p1 $0x1;
	[sflag:s25] =	ssyncadd.s32 $0xFFFFFF80  }
0x86: {  	[tilespmem:s23], [sflag:$0x1] =	stream.indirect.gather [hbm4b:s4+s26], $0x80, s3, s26, $0xb8;
	[tilespmem:$0x1C200] =	vst v63  }
0x87: {  	_ =	swait.ge @p1 [sflag:s0], $0x4000  }
0x88: {  	s6 =	simm.s32 @p1 $0x80;
	s1 =	sadd.s32 @!p1 s29, s19;
	[sflag:s0] =	ssyncset.done @p1 $0x0  }
0x89: {  	s12 =	simm.s32 @p1 $0x100;
	s1 =	sadd.s32 @!p1 $0x200, s1;
	[sflag:s0] =	ssyncadd.s32 @p1 $0xFFFFC000  }
0x8a: {  	[spmem:s2] =	stream.indirect.scatter.add.f32 @p1 [tilespmem:s12], [sflag:$0x3], $0x80, s6, s6, $0xb8;
	[tilespmem:$0x1C200] =	vst v63  }
0x8b: {  	s0 =	simm.s32 @!p1 $0x0;
	s6 =	simm.s32 @!p1 $0x4100;
	s12 =	simm.s32 @!p1 $0x4  }
0x8c: {  	[tilespmem:s6], [sflag:$0x4] =	stream.linear.gather @!p1 [hbm4b:s1+s0], $0x80, $0x38;
	[tilespmem:$0x1C200] =	vst v63  }
0x8d: {  	_ =	swait.ge @!p1 [sflag:s12], $0x80  }
0x8e: {  	s1 =	sadd.s32 @!p1 s29, s18;
	[sflag:s12] =	ssyncset.done @!p1 $0x0  }
0x8f: {  	s13 =	simm.s32 @!p1 $0x4180;
	s1 =	sadd.s32 @!p1 $0x200, s1;
	[sflag:s12] =	ssyncadd.s32 @!p1 $0xFFFFFF80  }
0x90: {  	[tilespmem:s13], [sflag:$0x4] =	stream.linear.gather @!p1 [hbm4b:s1+s0], $0x80, $0x38;
	[tilespmem:$0x1C200] =	vst v63  }
0x91: {  	_ =	swait.ge @!p1 [sflag:s12], $0x80  }
0x92: {  	s14 =	simm.s32 @!p1 $0x1;
	[sflag:s12] =	ssyncset.done @!p1 $0x0  }
0x93: {  	s0 =	simm.s32 @!p1 $0x80;
	s1 =	simm.s32 @!p1 $0x4200;
	[sflag:s12] =	ssyncadd.s32 @!p1 $0xFFFFFF80  }
0x94: {  	[tilespmem:s1], [sflag:$0x2] =	stream.indirect.gather @!p1 [hbm4b:s4+s0], $0x80, s6, s0, $0xb8;
	[tilespmem:$0x1C200] =	vst v63  }
0x95: {  	_ =	swait.ge @!p1 [sflag:s14], $0x4000  }
0x96: {  	[sflag:s14] =	ssyncset.done @!p1 $0x0  }
0x97: {  	s6 =	simm.s32 @!p1 $0x100;
	[sflag:s14] =	ssyncadd.s32 @!p1 $0xFFFFC000  }
0x98: {  	[spmem:s2] =	stream.indirect.scatter.add.f32 @!p1 [tilespmem:s6], [sflag:$0x4], $0x80, s0, s0, $0xb8;
	[tilespmem:$0x1C200] =	vst v63  }
0x99: {  	_ =	swait.ge @!p1 [sflag:s12], $0x4000  }
0x9a: {  	[sflag:s12] =	ssyncset.done @!p1 $0x0  }
0x9b: {  	s6 =	simm.s32 @!p1 $0x2;
	[sflag:s12] =	ssyncadd.s32 @!p1 $0xFFFFC000  }
0x9c: {  	_ =	swait.ge @!p1 [sflag:s6], $0x4000  }
0x9d: {  	[sflag:s6] =	ssyncset.done @!p1 $0x0  }
0x9e: {  	s12 =	simm.s32 @p1 $0x3;
	[sflag:s6] =	ssyncadd.s32 @!p1 $0xFFFFC000  }
0x9f: {  	[spmem:s2] =	stream.indirect.scatter.add.f32 @!p1 [tilespmem:s1], [sflag:$0x4], $0x80, s13, s0, $0xb8;
	[tilespmem:$0x1C200] =	vst v63  }
0xa0: {  	_ =	swait.ge [sflag:s12], $0x4000  }
0xa1: {  	[sflag:s12] =	ssyncset.done $0x0  }
0xa2: {  	s15 =	sadd.s32 $0x0, s22;
	[sflag:s12] =	ssyncadd.s32 $0xFFFFC000  }
0xa3: {  	[tilespmem:s3], [sflag:$0x4] =	stream.linear.gather [hbm4b:s15+s3], $0x80, $0x38;
	[tilespmem:$0x1C200] =	vst v63  }
0xa4: {  	_ =	swait.ge [sflag:s25], $0x80  }
0xa5: {  	[sflag:s25] =	ssyncset.done $0x0  }
0xa6: {  	s16 =	sadd.s32 $0x0, s21;
	[sflag:s25] =	ssyncadd.s32 $0xFFFFFF80  }
0xa7: {  	[tilespmem:s26], [sflag:$0x4] =	stream.linear.gather [hbm4b:s16+s3], $0x80, $0x38;
	[tilespmem:$0x1C200] =	vst v63  }
0xa8: {  	_ =	swait.ge [sflag:s25], $0x80  }
0xa9: {  	[sflag:s25] =	ssyncset.done $0x0  }
0xaa: {  	s0 =	simm.s32 @p0 $0x1;
	[sflag:s25] =	ssyncadd.s32 $0xFFFFFF80  }
0xab: {  	[tilespmem:s23], [sflag:$0x1] =	stream.indirect.gather [hbm4b:s5+s26], $0x80, s3, s26, $0xb8;
	[tilespmem:$0x1C200] =	vst v63  }
0xac: {  	_ =	swait.ge @p0 [sflag:s0], $0x4000  }
0xad: {  	s6 =	simm.s32 @p0 $0x80;
	s1 =	sadd.s32 @!p0 $0x0, s22;
	[sflag:s0] =	ssyncset.done @p0 $0x0  }
0xae: {  	s1 =	sadd.s32 @!p0 $0x200, s1;
	s12 =	simm.s32 @p0 $0x100;
	[sflag:s0] =	ssyncadd.s32 @p0 $0xFFFFC000  }
0xaf: {  	[spmem:s2] =	stream.indirect.scatter.add.f32 @p0 [tilespmem:s12], [sflag:$0x3], $0x80, s6, s6, $0xb8;
	[tilespmem:$0x1C200] =	vst v63  }
0xb0: {  	s0 =	simm.s32 @!p0 $0x4;
	s6 =	simm.s32 @!p0 $0x0;
	s12 =	simm.s32 @!p0 $0x4100  }
0xb1: {  	[tilespmem:s12], [sflag:$0x4] =	stream.linear.gather @!p0 [hbm4b:s1+s6], $0x80, $0x38;
	[tilespmem:$0x1C200] =	vst v63  }
0xb2: {  	_ =	swait.ge @!p0 [sflag:s0], $0x80  }
0xb3: {  	s1 =	sadd.s32 @!p0 $0x0, s21;
	[sflag:s0] =	ssyncset.done @!p0 $0x0  }
0xb4: {  	s13 =	simm.s32 @!p0 $0x4180;
	s1 =	sadd.s32 @!p0 $0x200, s1;
	[sflag:s0] =	ssyncadd.s32 @!p0 $0xFFFFFF80  }
0xb5: {  	[tilespmem:s13], [sflag:$0x4] =	stream.linear.gather @!p0 [hbm4b:s1+s6], $0x80, $0x38;
	[tilespmem:$0x1C200] =	vst v63  }
0xb6: {  	_ =	swait.ge @!p0 [sflag:s0], $0x80  }
0xb7: {  	s14 =	simm.s32 @!p0 $0x1;
	[sflag:s0] =	ssyncset.done @!p0 $0x0  }
0xb8: {  	s1 =	simm.s32 @!p0 $0x80;
	s6 =	simm.s32 @!p0 $0x4200;
	[sflag:s0] =	ssyncadd.s32 @!p0 $0xFFFFFF80  }
0xb9: {  	[tilespmem:s6], [sflag:$0x2] =	stream.indirect.gather @!p0 [hbm4b:s5+s1], $0x80, s12, s1, $0xb8;
	[tilespmem:$0x1C200] =	vst v63  }
0xba: {  	_ =	swait.ge @!p0 [sflag:s14], $0x4000  }
0xbb: {  	[sflag:s14] =	ssyncset.done @!p0 $0x0  }
0xbc: {  	s12 =	simm.s32 @!p0 $0x100;
	[sflag:s14] =	ssyncadd.s32 @!p0 $0xFFFFC000  }
0xbd: {  	[spmem:s2] =	stream.indirect.scatter.add.f32 @!p0 [tilespmem:s12], [sflag:$0x4], $0x80, s1, s1, $0xb8;
	[tilespmem:$0x1C200] =	vst v63  }
0xbe: {  	_ =	swait.ge @!p0 [sflag:s0], $0x4000  }
0xbf: {  	[sflag:s0] =	ssyncset.done @!p0 $0x0  }
0xc0: {  	s12 =	simm.s32 @!p0 $0x2;
	[sflag:s0] =	ssyncadd.s32 @!p0 $0xFFFFC000  }
0xc1: {  	_ =	swait.ge @!p0 [sflag:s12], $0x4000  }
0xc2: {  	[sflag:s12] =	ssyncset.done @!p0 $0x0  }
0xc3: {  	s31 =	simm.s32 $0x800;
	s0 =	simm.s32 @p0 $0x3;
	[sflag:s12] =	ssyncadd.s32 @!p0 $0xFFFFC000  }
0xc4: {  	[spmem:s2] =	stream.indirect.scatter.add.f32 @!p0 [tilespmem:s6], [sflag:$0x4], $0x80, s13, s1, $0xb8;
	[tilespmem:$0x1C200] =	vst v63  }
0xc5: {  	s30 =	sadd.s32 $0x40, s20;
	s29 =	simm.s32 $0x400;
	_ =	swait.ge [sflag:s0], $0x4000  }
.LBB2_4:
0xc6: {  	s1 =	sadd.s32 s29, s22  }
0xc7: {  	[sflag:s0] =	ssyncset.done $0x0;
	s6 =	smov.u32 s31;
	s31 =	sadd.s32 $0x400, s31  }
0xc8: {  	p0 =	sne.s32 s31, $0x5000;
	[sflag:s0] =	ssyncadd.s32 $0xFFFFC000  }
0xc9: {  	[tilespmem:s3], [sflag:$0x4] =	stream.linear.gather [hbm4b:s1+s3], $0x80, $0x38;
	[tilespmem:$0x1C200] =	vst v63  }
0xca: {  	_ =	swait.ge [sflag:s25], $0x80  }
0xcb: {  	s0 =	sadd.s32 s29, s21;
	[sflag:s25] =	ssyncset.done $0x0  }
0xcc: {  	[sflag:s25] =	ssyncadd.s32 $0xFFFFFF80  }
0xcd: {  	[tilespmem:s26], [sflag:$0x4] =	stream.linear.gather [hbm4b:s0+s3], $0x80, $0x38;
	[tilespmem:$0x1C200] =	vst v63  }
0xce: {  	_ =	swait.ge [sflag:s25], $0x80  }
0xcf: {  	p1 =	sgt.u32 s30, $0x4E1;
	[sflag:s25] =	ssyncset.done $0x0  }
0xd0: {  	s1 =	sadd.s32 @!p1 s29, s22;
	s0 =	simm.s32 @p1 $0x1;
	[sflag:s25] =	ssyncadd.s32 $0xFFFFFF80  }
0xd1: {  	[tilespmem:s23], [sflag:$0x1] =	stream.indirect.gather [hbm4b:s5+s26], $0x80, s3, s26, $0xb8;
	[tilespmem:$0x1C200] =	vst v63  }
0xd2: {  	s12 =	sadd.s32 @!p1 s29, s21;
	s1 =	sadd.s32 @!p1 $0x200, s1;
	_ =	swait.ge @p1 [sflag:s0], $0x4000  }
0xd3: {  	s13 =	simm.s32 @p1 $0x80;
	s14 =	simm.s32 @p1 $0x100;
	[sflag:s0] =	ssyncset.done @p1 $0x0  }
0xd4: {  	s15 =	simm.s32 @!p1 $0x0;
	s16 =	simm.s32 @!p1 $0x4100;
	[sflag:s0] =	ssyncadd.s32 @p1 $0xFFFFC000  }
0xd5: {  	[spmem:s2] =	stream.indirect.scatter.add.f32 @p1 [tilespmem:s14], [sflag:$0x3], $0x80, s13, s13, $0xb8;
	[tilespmem:$0x1C200] =	vst v63  }
0xd6: {  	s12 =	sadd.s32 @!p1 $0x200, s12;
	s29 =	smov.u32 s6;
	s0 =	simm.s32 @!p1 $0x4  }
0xd7: {  	[tilespmem:s16], [sflag:$0x4] =	stream.linear.gather @!p1 [hbm4b:s1+s15], $0x80, $0x38;
	[tilespmem:$0x1C200] =	vst v63  }
0xd8: {  	_ =	swait.ge @!p1 [sflag:s0], $0x80  }
0xd9: {  	s1 =	simm.s32 @!p1 $0x4180;
	[sflag:s0] =	ssyncset.done @!p1 $0x0  }
0xda: {  	[sflag:s0] =	ssyncadd.s32 @!p1 $0xFFFFFF80  }
0xdb: {  	[tilespmem:s1], [sflag:$0x4] =	stream.linear.gather @!p1 [hbm4b:s12+s15], $0x80, $0x38;
	[tilespmem:$0x1C200] =	vst v63  }
0xdc: {  	_ =	swait.ge @!p1 [sflag:s0], $0x80  }
0xdd: {  	s6 =	simm.s32 @!p1 $0x80;
	s12 =	simm.s32 @!p1 $0x4200;
	[sflag:s0] =	ssyncset.done @!p1 $0x0  }
0xde: {  	s13 =	simm.s32 @!p1 $0x1;
	[sflag:s0] =	ssyncadd.s32 @!p1 $0xFFFFFF80  }
0xdf: {  	[tilespmem:s12], [sflag:$0x2] =	stream.indirect.gather @!p1 [hbm4b:s5+s6], $0x80, s16, s6, $0xb8;
	[tilespmem:$0x1C200] =	vst v63  }
0xe0: {  	_ =	swait.ge @!p1 [sflag:s13], $0x4000  }
0xe1: {  	s14 =	simm.s32 @!p1 $0x100;
	[sflag:s13] =	ssyncset.done @!p1 $0x0  }
0xe2: {  	[sflag:s13] =	ssyncadd.s32 @!p1 $0xFFFFC000  }
0xe3: {  	[spmem:s2] =	stream.indirect.scatter.add.f32 @!p1 [tilespmem:s14], [sflag:$0x4], $0x80, s6, s6, $0xb8;
	[tilespmem:$0x1C200] =	vst v63  }
0xe4: {  	_ =	swait.ge @!p1 [sflag:s0], $0x4000  }
0xe5: {  	s13 =	simm.s32 @!p1 $0x2;
	[sflag:s0] =	ssyncset.done @!p1 $0x0  }
0xe6: {  	[sflag:s0] =	ssyncadd.s32 @!p1 $0xFFFFC000  }
.Ltmp1:
0xe7: {  	_ =	swait.ge @!p1 [sflag:s13], $0x4000;
	(pc) =	sbr.rel @p0 .LBB2_4-.Ltmp1, $4  }
0xe8: {  	[sflag:s13] =	ssyncset.done @!p1 $0x0  }
0xe9: {  	s0 =	simm.s32 @p1 $0x3;
	[sflag:s13] =	ssyncadd.s32 @!p1 $0xFFFFC000  }
0xea: {  	[spmem:s2] =	stream.indirect.scatter.add.f32 @!p1 [tilespmem:s12], [sflag:$0x4], $0x80, s1, s6, $0xb8;
	[tilespmem:$0x1C200] =	vst v63  }
0xeb: {  	s30 =	sadd.s32 $0x40, s30;
	_ =	swait.ge [sflag:s0], $0x4000  }
0xec: {  	[sflag:s0] =	ssyncset.done $0x0  }
0xed: {  	s1 =	sadd.s32 s29, s22;
	[sflag:s0] =	ssyncadd.s32 $0xFFFFC000  }
0xee: {  	[tilespmem:s3], [sflag:$0x4] =	stream.linear.gather [hbm4b:s1+s3], $0x80, $0x38;
	[tilespmem:$0x1C200] =	vst v63  }
0xef: {  	_ =	swait.ge [sflag:s25], $0x80  }
0xf0: {  	[sflag:s25] =	ssyncset.done $0x0  }
0xf1: {  	s14 =	sadd.s32 s29, s21;
	[sflag:s25] =	ssyncadd.s32 $0xFFFFFF80  }
0xf2: {  	[tilespmem:s26], [sflag:$0x4] =	stream.linear.gather [hbm4b:s14+s3], $0x80, $0x38;
	[tilespmem:$0x1C200] =	vst v63  }
0xf3: {  	_ =	swait.ge [sflag:s25], $0x80  }
0xf4: {  	p0 =	sgt.u32 s30, $0x4E1;
	[sflag:s25] =	ssyncset.done $0x0  }
0xf5: {  	s0 =	simm.s32 @p0 $0x1;
	[sflag:s25] =	ssyncadd.s32 $0xFFFFFF80  }
0xf6: {  	[tilespmem:s23], [sflag:$0x1] =	stream.indirect.gather [hbm4b:s5+s26], $0x80, s3, s26, $0xb8;
	[tilespmem:$0x1C200] =	vst v63  }
0xf7: {  	_ =	swait.ge @p0 [sflag:s0], $0x4000  }
0xf8: {  	s6 =	simm.s32 @p0 $0x80;
	s1 =	sadd.s32 @!p0 s29, s22;
	[sflag:s0] =	ssyncset.done @p0 $0x0  }
0xf9: {  	s12 =	simm.s32 @p0 $0x100;
	s1 =	sadd.s32 @!p0 $0x200, s1;
	[sflag:s0] =	ssyncadd.s32 @p0 $0xFFFFC000  }
0xfa: {  	[spmem:s2] =	stream.indirect.scatter.add.f32 @p0 [tilespmem:s12], [sflag:$0x3], $0x80, s6, s6, $0xb8;
	[tilespmem:$0x1C200] =	vst v63  }
0xfb: {  	s0 =	simm.s32 @!p0 $0x0;
	s6 =	simm.s32 @!p0 $0x4100;
	s12 =	simm.s32 @!p0 $0x4  }
0xfc: {  	[tilespmem:s6], [sflag:$0x4] =	stream.linear.gather @!p0 [hbm4b:s1+s0], $0x80, $0x38;
	[tilespmem:$0x1C200] =	vst v63  }
0xfd: {  	_ =	swait.ge @!p0 [sflag:s12], $0x80  }
0xfe: {  	s1 =	sadd.s32 @!p0 s29, s21;
	[sflag:s12] =	ssyncset.done @!p0 $0x0  }
0xff: {  	s13 =	simm.s32 @!p0 $0x4180;
	s1 =	sadd.s32 @!p0 $0x200, s1;
	[sflag:s12] =	ssyncadd.s32 @!p0 $0xFFFFFF80  }
0x100: {  	[tilespmem:s13], [sflag:$0x4] =	stream.linear.gather @!p0 [hbm4b:s1+s0], $0x80, $0x38;
	[tilespmem:$0x1C200] =	vst v63  }
0x101: {  	_ =	swait.ge @!p0 [sflag:s12], $0x80  }
0x102: {  	[sflag:s12] =	ssyncset.done @!p0 $0x0  }
0x103: {  	s0 =	simm.s32 @!p0 $0x80;
	s1 =	simm.s32 @!p0 $0x4200;
	[sflag:s12] =	ssyncadd.s32 @!p0 $0xFFFFFF80  }
0x104: {  	[tilespmem:s1], [sflag:$0x2] =	stream.indirect.gather @!p0 [hbm4b:s5+s0], $0x80, s6, s0, $0xb8;
	[tilespmem:$0x1C200] =	vst v63  }
0x105: {  	s6 =	simm.s32 @!p0 $0x1  }
0x106: {  	_ =	swait.ge @!p0 [sflag:s6], $0x4000  }
0x107: {  	[sflag:s6] =	ssyncset.done @!p0 $0x0  }
0x108: {  	[sflag:s6] =	ssyncadd.s32 @!p0 $0xFFFFC000;
	s6 =	simm.s32 @!p0 $0x100  }
0x109: {  	[spmem:s2] =	stream.indirect.scatter.add.f32 @!p0 [tilespmem:s6], [sflag:$0x4], $0x80, s0, s0, $0xb8;
	[tilespmem:$0x1C200] =	vst v63  }
0x10a: {  	_ =	swait.ge @!p0 [sflag:s12], $0x4000  }
0x10b: {  	[sflag:s12] =	ssyncset.done @!p0 $0x0  }
0x10c: {  	s6 =	simm.s32 @!p0 $0x2;
	[sflag:s12] =	ssyncadd.s32 @!p0 $0xFFFFC000  }
0x10d: {  	_ =	swait.ge @!p0 [sflag:s6], $0x4000  }
0x10e: {  	[sflag:s6] =	ssyncset.done @!p0 $0x0  }
0x10f: {  	s12 =	simm.s32 @p0 $0x3;
	[sflag:s6] =	ssyncadd.s32 @!p0 $0xFFFFC000  }
0x110: {  	[spmem:s2] =	stream.indirect.scatter.add.f32 @!p0 [tilespmem:s1], [sflag:$0x4], $0x80, s13, s0, $0xb8;
	[tilespmem:$0x1C200] =	vst v63  }
0x111: {  	_ =	swait.ge [sflag:s12], $0x4000  }
0x112: {  	[sflag:s12] =	ssyncset.done $0x0  }
0x113: {  	[sflag:s12] =	ssyncadd.s32 $0xFFFFC000  }
0x114: {  	[bflag:$0x0] =	sbarrier.arrive $0xFFFF  }
0x115: {  	[tilespmem:s23], [sflag:$0x3] =	stream.linear.gather [spmem:s7], $0x4000, $0x38;
	[tilespmem:$0x1C200] =	vst v63  }
0x116: {  	_ =	swait.ge [sflag:s24], $0x4000  }
0x117: {  	[sflag:s24] =	ssyncset.done $0x0  }
0x118: {  	s15 =	rddreg [dreg:$0x8];
	[sflag:s24] =	ssyncadd.s32 $0xFFFFC000  }
0x119: {  	[hbm4b:s15+s3] =	stream.linear.scatter [tilespmem:s23], [sflag:$0x3], $0x4000, $0x38;
	[tilespmem:$0x1C200] =	vst v63  }
0x11a: {  	_ =	swait.ge [sflag:s24], $0x4000  }
0x11b: {  	[sflag:s24] =	ssyncset.done $0x0  }
0x11c: {  	[sflag:s24] =	ssyncadd.s32 $0xFFFFC000  }
0x11d: {  	[tilespmem:s23], [sflag:$0x3] =	stream.linear.gather [spmem:s8], $0x4000, $0x38;
	[tilespmem:$0x1C200] =	vst v63  }
0x11e: {  	_ =	swait.ge [sflag:s24], $0x4000  }
0x11f: {  	[sflag:s24] =	ssyncset.done $0x0  }
0x120: {  	s16 =	rddreg [dreg:$0x9];
	[sflag:s24] =	ssyncadd.s32 $0xFFFFC000  }
0x121: {  	[hbm4b:s16+s3] =	stream.linear.scatter [tilespmem:s23], [sflag:$0x3], $0x4000, $0x38;
	[tilespmem:$0x1C200] =	vst v63  }
0x122: {  	_ =	swait.ge [sflag:s24], $0x4000  }
0x123: {  	[sflag:s24] =	ssyncset.done $0x0  }
0x124: {  	[sflag:s24] =	ssyncadd.s32 $0xFFFFC000  }
0x125: {  	[tilespmem:s23], [sflag:$0x3] =	stream.linear.gather [spmem:s9], $0x4000, $0x38;
	[tilespmem:$0x1C200] =	vst v63  }
0x126: {  	_ =	swait.ge [sflag:s24], $0x4000  }
0x127: {  	[sflag:s24] =	ssyncset.done $0x0  }
0x128: {  	s29 =	rddreg [dreg:$0xa];
	[sflag:s24] =	ssyncadd.s32 $0xFFFFC000  }
0x129: {  	[hbm4b:s29+s3] =	stream.linear.scatter [tilespmem:s23], [sflag:$0x3], $0x4000, $0x38;
	[tilespmem:$0x1C200] =	vst v63  }
0x12a: {  	_ =	swait.ge [sflag:s24], $0x4000  }
0x12b: {  	[sflag:s24] =	ssyncset.done $0x0  }
0x12c: {  	[sflag:s24] =	ssyncadd.s32 $0xFFFFC000  }
0x12d: {  	[tilespmem:s23], [sflag:$0x3] =	stream.linear.gather [spmem:s10], $0x4000, $0x38;
	[tilespmem:$0x1C200] =	vst v63  }
0x12e: {  	_ =	swait.ge [sflag:s24], $0x4000  }
0x12f: {  	[sflag:s24] =	ssyncset.done $0x0  }
0x130: {  	s30 =	rddreg [dreg:$0xb];
	[sflag:s24] =	ssyncadd.s32 $0xFFFFC000  }
0x131: {  	[hbm4b:s30+s3] =	stream.linear.scatter [tilespmem:s23], [sflag:$0x3], $0x4000, $0x38;
	[tilespmem:$0x1C200] =	vst v63  }
0x132: {  	_ =	swait.ge [sflag:s24], $0x4000  }
0x133: {  	[sflag:s24] =	ssyncset.done $0x0  }
0x134: {  	[sflag:s24] =	ssyncadd.s32 $0xFFFFC000  }
0x135: {  	[tilespmem:s23], [sflag:$0x3] =	stream.linear.gather [spmem:s11], $0x4000, $0x38;
	[tilespmem:$0x1C200] =	vst v63  }
0x136: {  	s28 =	sadd.s32 $0x1, s28;
	_ =	swait.ge [sflag:s24], $0x4000  }
0x137: {  	p0 =	sne.s32 s28, s17;
	[sflag:s24] =	ssyncset.done $0x0  }
.Ltmp2:
0x138: {  	s31 =	rddreg [dreg:$0xc];
	[sflag:s24] =	ssyncadd.s32 $0xFFFFC000;
	(pc) =	sbr.rel @p0 .LBB2_1-.Ltmp2, $4  }
0x139: {  	[hbm4b:s31+s3] =	stream.linear.scatter [tilespmem:s23], [sflag:$0x3], $0x4000, $0x38;
	[tilespmem:$0x1C200] =	vst v63  }
0x13a: {  	_ =	swait.ge [sflag:s24], $0x4000  }
0x13b: {  	[sflag:s24] =	ssyncset.done $0x0  }
0x13c: {  	[sflag:s24] =	ssyncadd.s32 $0xFFFFC000  }
0x13d: {  	_ =	sfence.sel $0x180000  }
0x13e: {  	[bflag:$0x0] =	sbarrier.arrive $0xFFFF  }
0x13f: {  	_ =	strace $0x90000047  }
0x140: {  	s0 =	stileid.u32;
	[bflag:$0x2] =	sbarrier.arrive $0xFFFF  }
0x141: {  	p0 =	sne.s32 s0, $0x0;
	s0 =	rddreg [dreg:$0x6]  }
0x142: {  	s0 =	sadd.s32 @!p0 $0x100000, s0  }
0x143: {  	[sflag:s0] =	ssyncadd.tile.s32 @!p0 $0x1;
	_ =	shalt  }
.Lfunc_end2:
_tile_overlayer_lowered:
.L_overlay_start_2:
0x144: {  	(tag) =	ssettag $0x2  }
0x145: {  	s0 =	rddreg [dreg:$0x0];
	s2 =	stileid.u32  }
0x146: {  	s1 =	rddreg [dreg:$0x1];
	p0 =	sne.s32 s2, $0x0  }
0x147: {  	s3 =	rddreg [dreg:$0x2];
	[bflag:$0x3] =	sbarrier.arrive $0xFFFF;
	s2 =	simm.s32 @!p0 $0x1C03  }
0x148: {  	[timem:s3], [sflag:s2] =	dma.local @!p0 [hbm:s0], s1  }
0x149: {  	s0 =	simm.s32 @!p0 $0x3  }
0x14a: {  	_ =	swait.ge @!p0 [sflag:s0], s1  }
0x14b: {  	s1 =	ssub.s32 @!p0 $0x0, s1;
	[sflag:s0] =	ssyncset.done @!p0 $0x0  }
0x14c: {  	[sflag:s0] =	ssyncadd.s32 @!p0 s1  }
0x14d: {  	[bflag:$0x3] =	sbarrier.arrive $0xFFFF  }
0x14e: {  	_ =	shalt  }

// kernel: kernel.9.cloned.1.call-start
scs
__scs_entry_jumppad:
0x0: {  	(pc) =	sbr.rel $0x88, $3  }
0x1: {  	(tag) =	ssettag $0x0;
	lr =	simm.s32 $0x1  }
0x2: {  	[smem:$0x3F96] =	sst lr;
	_ =	strace $0xD0000000  }
0x3: {  	_ = 	snop  }
0x4: {  	_ = 	snop  }
0x5: {  	_ = 	snop  }
0x6: {  	_ = 	snop  }
0x7: {  	_ = 	snop  }
__scs_overlays_trampoline_lowered:
0x8: {  	[smem:$0x3FA5] =	sst s0  }
0x9: {  	[smem:$0x3FA6] =	sst s1  }
0xa: {  	[smem:$0x3FA7] =	sst s2  }
0xb: {  	[smem:$0x3FA8] =	sst s3  }
0xc: {  	[smem:$0x3FA9] =	sst s4  }
0xd: {  	[smem:$0x3FAA] =	sst s5  }
0xe: {  	[smem:$0x3FAB] =	sst s6  }
0xf: {  	[smem:$0x3FAC] =	sst s7  }
0x10: {  	[smem:$0x3FAD] =	sst s8  }
0x11: {  	[smem:$0x3FAE] =	sst s9;
	s0 =	simm.s32 @!p0 $0x0  }
0x12: {  	s1 =	sld [smem:$0x3F94];
	s0 =	simm.s32 @p0 $0x1  }
0x13: {  	[smem:$0x3FAF] =	sst s0;
	s0 =	simm.s32 @!p1 $0x0  }
0x14: {  	s2 =	sld [smem:$0x3F93];
	s0 =	simm.s32 @p1 $0x1  }
0x15: {  	[smem:$0x3FB0] =	sst s0;
	s0 =	simm.s32 @!p2 $0x0  }
0x16: {  	s3 =	sld [smem:$0x3FDB];
	s0 =	simm.s32 @p2 $0x1  }
0x17: {  	s4 =	simm.s32 $0x1BF5;
	[smem:$0x3FB2] =	sst s0  }
0x18: {  	s0 =	sld [smem:$0x3F95];
	_ =	swait.ge [sflag:s4], $0x0  }
0x19: {  	s7 =	sld [smem:$0x3F96]  }
0x1a: {  	s8 =	sadd.s32 $0xFFFFE003, lr  }
0x1b: {  	s9 =	sadd.s32 $0xFFFFFEF7, lr;
	s5 =	simm.s32 $0xFFFFFFFF;
	p2 =	slt.u32 s8, $0xFFFFF086  }
0x1c: {  	p1 =	slt.u32 s9, $0xF7A;
	s5 =	simm.s32 @!p2 $0x0  }
0x1d: {  	s5 =	simm.s32 @p1 $0x1;
	p0 =	seq.s32 s7, s2  }
0x1e: {  	s7 =	smul.u32 @!p0 $0xF7A, s2;
	p2 =	seq.s32 @!p0 s5, $0x0  }
0x1f: {  	s9 =	smul.u32 $0xF7A, s1;
	s8 =	simm.s32 @!p0 $0x1BF5;
	p2 =	por !p2, p0  }
0x20: {  	[sflag:s8] =	ssyncset.s32 @!p0 $0xFFFFF086;
	s6 =	sadd.s32 @!p0 s3, s7;
	s7 =	simm.s32 @!p0 $0x108  }
0x21: {  	s3 =	sadd.s32 s3, s9;
	s6 =	sadd.s32 @!p0 $0x88, s6;
	s7 =	simm.s32 @p2 $0x1082  }
0x22: {  	[simem:s7], [sflag:s8] =	dma.local @!p0 [hbm:s6], $0xF7A  }
0x23: {  	s9 =	sor.u32 $0xD0000000, s2;
	s6 =	simm.s32 $0x108;
	_ =	swait.ge @!p0 [sflag:s8], $0x0  }
0x24: {  	s3 =	sadd.s32 $0x88, s3;
	s6 =	simm.s32 @!p1 $0x1082;
	[sflag:s4] =	ssyncset.s32 $0xFFFFF086  }
0x25: {  	[simem:s6], [sflag:s4] =	dma.local [hbm:s3], $0xF7A  }
0x26: {  	[smem:$0x3F96] =	sst s1;
	(tag) =	ssettag s2;
	_ =	strace s9  }
0x27: {  	s1 =	sld [smem:$0x3FA6]  }
0x28: {  	s2 =	sld [smem:$0x3FA7]  }
0x29: {  	s4 =	sld [smem:$0x3FA9]  }
0x2a: {  	p0 =	seq.s32 s5, $0x0;
	s5 =	sld [smem:$0x3FAA]  }
0x2b: {  	s6 =	sld [smem:$0x3FAB]  }
0x2c: {  	s7 =	sld [smem:$0x3FAC]  }
0x2d: {  	s3 =	simm.s32 $0x108;
	s8 =	sld [smem:$0x3FAD]  }
0x2e: {  	s3 =	simm.s32 @!p0 $0x1082;
	s9 =	sld [smem:$0x3FAE]  }
0x2f: {  	lr =	sadd.s32 s0, s3;
	s0 =	sld [smem:$0x3FA5]  }
0x30: {  	s3 =	sld [smem:$0x3FA8]  }
0x31: {  	[smem:$0x3FB1] =	sst s10  }
0x32: {  	s10 =	sld [smem:$0x3FAF];
	_ =	sdelay $0x3  }
0x33: {  	p0 =	seq.s32 s10, $0x1;
	s10 =	sld [smem:$0x3FB1];
	_ =	sdelay $0x3  }
0x34: {  	[smem:$0x3FB1] =	sst s10  }
0x35: {  	s10 =	sld [smem:$0x3FB0];
	_ =	sdelay $0x3  }
0x36: {  	p1 =	seq.s32 s10, $0x1;
	s10 =	sld [smem:$0x3FB1];
	_ =	sdelay $0x3  }
0x37: {  	[smem:$0x3FB1] =	sst s10  }
0x38: {  	s10 =	sld [smem:$0x3FB2]  }
0x39: {  	_ = 	snop;
	(pc) =	sbr.ind lr, $3  }
0x3a: {  	_ = 	snop  }
0x3b: {  	_ = 	snop  }
0x3c: {  	p2 =	seq.s32 s10, $0x1;
	s10 =	sld [smem:$0x3FB1]  }
0x3d: {  	_ =	shalt  }
0x3e: {  	_ =	shalt  }
0x3f: {  	_ =	shalt  }
0x40: {  	_ =	shalt  }
0x41: {  	_ =	shalt  }
0x42: {  	_ =	shalt  }
0x43: {  	_ =	shalt  }
0x44: {  	_ =	shalt  }
0x45: {  	_ =	shalt  }
0x46: {  	_ =	shalt  }
0x47: {  	_ =	shalt  }
0x48: {  	_ =	shalt  }
0x49: {  	_ =	shalt  }
0x4a: {  	_ =	shalt  }
0x4b: {  	_ =	shalt  }
0x4c: {  	_ =	shalt  }
0x4d: {  	_ =	shalt  }
0x4e: {  	_ =	shalt  }
0x4f: {  	_ =	shalt  }
0x50: {  	_ =	shalt  }
0x51: {  	_ =	shalt  }
0x52: {  	_ =	shalt  }
0x53: {  	_ =	shalt  }
0x54: {  	_ =	shalt  }
0x55: {  	_ =	shalt  }
0x56: {  	_ =	shalt  }
0x57: {  	_ =	shalt  }
0x58: {  	_ =	shalt  }
0x59: {  	_ =	shalt  }
0x5a: {  	_ =	shalt  }
0x5b: {  	_ =	shalt  }
0x5c: {  	_ =	shalt  }
0x5d: {  	_ =	shalt  }
0x5e: {  	_ =	shalt  }
0x5f: {  	_ =	shalt  }
0x60: {  	_ =	shalt  }
0x61: {  	_ =	shalt  }
0x62: {  	_ =	shalt  }
0x63: {  	_ =	shalt  }
0x64: {  	_ =	shalt  }
0x65: {  	_ =	shalt  }
0x66: {  	_ =	shalt  }
0x67: {  	_ =	shalt  }
0x68: {  	_ =	shalt  }
0x69: {  	_ =	shalt  }
0x6a: {  	_ =	shalt  }
0x6b: {  	_ =	shalt  }
0x6c: {  	_ =	shalt  }
0x6d: {  	_ =	shalt  }
0x6e: {  	_ =	shalt  }
0x6f: {  	_ =	shalt  }
0x70: {  	_ =	shalt  }
0x71: {  	_ =	shalt  }
0x72: {  	_ =	shalt  }
0x73: {  	_ =	shalt  }
0x74: {  	_ =	shalt  }
0x75: {  	_ =	shalt  }
0x76: {  	_ =	shalt  }
0x77: {  	_ =	shalt  }
0x78: {  	_ =	shalt  }
0x79: {  	_ =	shalt  }
0x7a: {  	_ =	shalt  }
0x7b: {  	_ =	shalt  }
0x7c: {  	_ =	shalt  }
0x7d: {  	_ =	shalt  }
0x7e: {  	_ =	shalt  }
0x7f: {  	_ =	shalt  }
0x80: {  	_ =	shalt  }
0x81: {  	_ =	shalt  }
0x82: {  	_ =	shalt  }
0x83: {  	_ =	shalt  }
0x84: {  	_ =	shalt  }
0x85: {  	_ =	shalt  }
0x86: {  	_ =	shalt  }
0x87: {  	_ =	shalt  }
.Lfunc_end0:
.L_simem_size_0:
called_computation.1_lowered:
.L_overlay_start_0:
0x88: {  	s2 =	sld [smem:$0x3FD9]  }
0x89: {  	s3 =	sld [smem:$0x3FFE];
	_ =	sdelay $0x1  }
0x8a: {  	s1 =	srdreg.scid  }
0x8b: {  	s0 =	sand.u32 $0x1, s1  }
0x8c: {  	s17 =	sshll.u32 s0, $0xA;
	s2 =	sadd.s32 s3, s2  }
0x8d: {  	s2 =	sadd.s32 s2, s17  }
0x8e: {  	[smem:$0x3FBD] =	sst s2  }
0x8f: {  	_ = 	snop  }
0x90: {  	s18 =	sld [smem:$0x3FC7]  }
0x91: {  	s4 =	sld [smem:$0x3FC5];
	(tm) =	ssettm $0x1  }
0x92: {  	s19 =	sld [smem:$0x3FFB];
	_ =	sdelay $0x3  }
0x93: {  	_ =	strace s19  }
0x94: {  	s2 =	sld [smem:$0x3FFC];
	_ =	sdelay $0x3  }
0x95: {  	_ =	strace s2  }
0x96: {  	s2 =	sld [smem:$0x3FFD];
	_ =	sdelay $0x3  }
0x97: {  	_ =	strace s2  }
0x98: {  	_ =	strace $0x8FFFFFFF  }
0x99: {  	s20 =	sld [smem:$0x3FDB];
	_ =	sdelay $0x1  }
0x9a: {  	s5 =	simm.s32 $_scs_section_size  }
0x9b: {  	s6 =	simm.s32 $_size__tile_overlayer_lowered;
	s7 =	simm.s32 $_tile_overlayer_lowered  }
0x9c: {  	s8 =	simm.s32 $0x1BFF;
	s21 =	sshll.u32 s7, $0x1;
	s5 =	sadd.s32 s5, s20  }
0x9d: {  	s22 =	simm.s32 $0x0;
	s6 =	sshll.u32 s6, $0x1;
	s7 =	sadd.s32 s21, s5  }
0x9e: {  	[timem:s22], [sflag:s8] =	dma.local [hbm:s7], s6  }
0x9f: {  	_ =	swait.ge [sflag:s8], s6  }
0xa0: {  	s6 =	ssub.s32 $0x0, s6;
	[sflag:s8] =	ssyncset.done $0x0  }
0xa1: {  	[sflag:s8] =	ssyncadd.s32 s6;
	_ =	sdelay $0x1  }
0xa2: {  	s23 =	simm.s32 $0x1B8B  }
0xa3: {  	_ =	swait.ge [sflag:s23], $0x1  }
0xa4: {  	[sflag:s23] =	ssyncset.done $0x0  }
0xa5: {  	[sflag:s23] =	ssyncadd.s32 $0xFFFFFFFF  }
0xa6: {  	s6 =	sld [smem:$0x0]  }
0xa7: {  	s7 =	sand.u32 $0xFFFFFFFE, s1  }
0xa8: {  	p0 =	sne.s32 s1, s7  }
0xa9: {  	s7 =	sshll.u32 @p0 s7, $0xE  }
0xaa: {  	s7 =	sadd.s32 @p0 $0x11B8D, s7;
	s8 =	sshll.u32 @p0 s6, $0x11  }
0xab: {  	s7 =	sor.u32 @p0 s8, s7  }
0xac: {  	[sflag:s7] =	ssyncadd.remote.s32 @p0 $0x1;
	_ =	sdelay $0x1  }
0xad: {  	s7 =	simm.s32 @p0 $0x1B8D  }
0xae: {  	_ =	swait.eq @p0 [sflag:s7], $0x1  }
0xaf: {  	[sflag:s7] =	ssyncadd.s32 @p0 $0xFFFFFFFF  }
0xb0: {  	s8 =	sshll.u32 @!p0 s1, $0xE  }
0xb1: {  	s8 =	sor.u32 @!p0 $0x4000, s8;
	s7 =	simm.s32 @!p0 $0x1B8D  }
0xb2: {  	s6 =	sshll.u32 @!p0 s6, $0x11;
	s8 =	sadd.s32 @!p0 $0x11B8D, s8;
	_ =	swait.eq @!p0 [sflag:s7], $0x1  }
0xb3: {  	s6 =	sor.u32 @!p0 s6, s8;
	[sflag:s7] =	ssyncadd.s32 @!p0 $0xFFFFFFFF  }
0xb4: {  	s25 =	simm.s32 $0x1B8E;
	s24 =	sld [smem:$0x3FFE];
	[sflag:s6] =	ssyncadd.remote.s32 @!p0 $0x1  }
0xb5: {  	s26 =	simm.s32 $execute0_lowered;
	[smem:$0x3FD2] =	sst s25  }
0xb6: {  	s7 =	sshll.u32 s26, $0x1;
	_ =	strace $0x80000049;
	[dreg:$0x1] =	wrdreg $0xFFFFFFFF  }
0xb7: {  	s28 =	simm.s32 $_size_execute0_lowered;
	s5 =	sadd.s32 s5, s7;
	[dreg:$0x0] =	wrdreg $0x0  }
0xb8: {  	s7 =	sshll.u32 s28, $0x1;
	[dreg:$0x2] =	wrdreg s5  }
0xb9: {  	[dreg:$0x3] =	wrdreg s7  }
0xba: {  	[dreg:$0x4] =	wrdreg $0xC0  }
0xbb: {  	_ =	task [dreg:s22], $0x5FFFF  }
0xbc: {  	[dreg:$0x1] =	wrdreg $0xFFFFFFFF  }
0xbd: {  	[dreg:$0x0] =	wrdreg $0x60  }
0xbe: {  	[dreg:$0x2] =	wrdreg s24  }
0xbf: {  	[dreg:$0x3] =	wrdreg s18  }
0xc0: {  	[dreg:$0x4] =	wrdreg s4  }
0xc1: {  	[dreg:$0x5] =	wrdreg $0x81000  }
0xc2: {  	[dreg:$0x6] =	wrdreg $0xA  }
0xc3: {  	_ =	task.clear_ibuf [dreg:s22], $0x7FFFF;
	_ =	strace $0x90000049  }
0xc4: {  	s29 =	simm.s32 $0xA;
	_ =	strace $0x8000004B  }
0xc5: {  	_ =	swait.ge [sflag:s29], $0x1  }
0xc6: {  	[sflag:s29] =	ssyncadd.s32 $0xFFFFFFFF  }
0xc7: {  	_ =	strace $0x9000004B  }
0xc8: {  	_ =	sfence  }
0xc9: {  	s30 =	sld [smem:$0x0];
	_ =	sdelay $0x2  }
0xca: {  	s31 =	sshll.u32 s1, $0xD;
	s1 =	sshrl.u32 s1, $0x2  }
0xcb: {  	s4 =	sand.u32 $0x4000, s31;
	s1 =	sadd.s32 s1, s30  }
0xcc: {  	s0 =	sor.u32 s4, s0;
	s1 =	sshll.u32 s1, $0x11  }
0xcd: {  	s0 =	sor.u32 s1, s0  }
0xce: {  	s0 =	sadd.s32 $0x8F2B, s0  }
0xcf: {  	[sflag:s0] =	ssyncadd.remote.s32 $0x1  }
0xd0: {  	_ =	sfence.sel $0xFFFF  }
0xd1: {  	[dreg:$0x0] =	wrdreg $0xFFFFFFFF;
	(pc) =	sbr.abs _section_cstart, $3  }
0xd2: {  	[dreg:$0x1] =	wrdreg $0xFFFFFFFF  }
0xd3: {  	_ =	task.clear_ibuf [dreg:s22], $0x2FFFF;
	_ =	strace $0x9FFFFFFF  }
0xd4: {  	(tm) =	ssettm $0x7FFFFFFF  }
0xd5: {  	_ =	shalt  }
tec
execute0_lowered:
.L_overlay_start_1:
0x0: {  	(tag) =	ssettag $0x1  }
0x1: {  	s5 =	rddreg [dreg:$0x0]  }
0x2: {  	s17 =	rddreg [dreg:$0x1]  }
0x3: {  	s19 =	rddreg [dreg:$0x2]  }
0x4: {  	s2 =	rddreg [dreg:$0x3]  }
0x5: {  	s0 =	stileid.u32;
	s4 =	srdreg.scid;
	s3 =	simm.s32 $0x0  }
0x6: {  	s24 =	simm.s32 $0x0;
	s18 =	sand.u32 $0x1, s4;
	s6 =	smul.u32 $0x280, s0  }
0x7: {  	[smem:$0x7FF] =	sst s3;
	s29 =	sshll.u32 s0, $0xC;
	s8 =	smul.u32 $0x50000, s0  }
0x8: {  	s1 =	sadd.s32 $0x51C00, s5;
	s20 =	sshll.u32 s0, $0x1;
	s22 =	sshll.u32 s0, $0x5  }
0x9: {  	s7 =	smul.u32 $0x2800, s18;
	_ =	strace $0x8000004A;
	s15 =	sadd.s32 s29, s5  }
0xa: {  	[dreg:$0x5] =	wrdreg s1;
	s30 =	ssub.s32 $0x2, s18;
	s21 =	sshll.u32 s18, $0xB  }
0xb: {  	s17 =	sadd.s32 s22, s17;
	s23 =	sshll.u32 s18, $0x4;
	s18 =	sor.u32 s18, s20  }
0xc: {  	s31 =	sadd.s32 s22, s19;
	s22 =	simm.s32 $0x3;
	s9 =	sshrl.u32 s30, $0x1  }
0xd: {  	s8 =	sshrl.u32 s8, $0x2;
	s21 =	sadd.s32 s21, s15;
	s17 =	sadd.s32 s23, s17  }
0xe: {  	s18 =	sor.u32 $0x20, s18;
	s20 =	sadd.s32 s23, s31;
	s23 =	simm.s32 $0x4  }
0xf: {  	s6 =	sadd.s32 s6, s7;
	s16 =	ssub.s32 s30, s9;
	s19 =	sadd.s32 $0x584400, s21  }
0x10: {  	s6 =	sshll.u32 s6, $0x4;
	s15 =	smax.u32 s16, $0x1;
	s16 =	sadd.s32 $0x313400, s21  }
0x11: {  	s21 =	simm.s32 $0x80;
	s14 =	sadd.s32 s6, s5;
	s5 =	sadd.s32 s8, s2  }
0x12: {  	s6 =	sadd.s32 $0x4000, s5;
	s7 =	sadd.s32 $0x8000, s5;
	s8 =	sadd.s32 $0xC000, s5  }
0x13: {  	s9 =	sadd.s32 $0x10000, s5;
	s10 =	sadd.s32 $0xA2400, s14;
	s11 =	sadd.s32 $0xA2C00, s14  }
0x14: {  	s12 =	sadd.s32 $0xA3400, s14;
	s13 =	sadd.s32 $0xA3C00, s14;
	s14 =	sadd.s32 $0xA4400, s14  }
.LBB2_1:
0x15: {  	s0 =	rddreg [dreg:$0x5]  }
0x16: {  	[tilespmem:s21], [sflag:$0x3] =	stream.linear.gather [hbm4b:s0+s3], $0x4000, $0x38;
	[tilespmem:$0x1C100] =	vst v63  }
0x17: {  	_ =	swait.ge [sflag:s22], $0x4000  }
0x18: {  	[sflag:s22] =	ssyncset.done $0x0  }
0x19: {  	[sflag:s22] =	ssyncadd.s32 $0xFFFFC000  }
0x1a: {  	[spmem:s5] =	stream.linear.scatter [tilespmem:s21], [sflag:$0x3], $0x4000, $0x38;
	[tilespmem:$0x1C100] =	vst v63  }
0x1b: {  	_ =	swait.ge [sflag:s22], $0x4000  }
0x1c: {  	[sflag:s22] =	ssyncset.done $0x0  }
0x1d: {  	[sflag:s22] =	ssyncadd.s32 $0xFFFFC000  }
0x1e: {  	[spmem:s6] =	stream.linear.scatter [tilespmem:s21], [sflag:$0x3], $0x4000, $0x38;
	[tilespmem:$0x1C100] =	vst v63  }
0x1f: {  	_ =	swait.ge [sflag:s22], $0x4000  }
0x20: {  	[sflag:s22] =	ssyncset.done $0x0  }
0x21: {  	[sflag:s22] =	ssyncadd.s32 $0xFFFFC000  }
0x22: {  	[spmem:s7] =	stream.linear.scatter [tilespmem:s21], [sflag:$0x3], $0x4000, $0x38;
	[tilespmem:$0x1C100] =	vst v63  }
0x23: {  	_ =	swait.ge [sflag:s22], $0x4000  }
0x24: {  	[sflag:s22] =	ssyncset.done $0x0  }
0x25: {  	[sflag:s22] =	ssyncadd.s32 $0xFFFFC000  }
0x26: {  	[spmem:s8] =	stream.linear.scatter [tilespmem:s21], [sflag:$0x3], $0x4000, $0x38;
	[tilespmem:$0x1C100] =	vst v63  }
0x27: {  	_ =	swait.ge [sflag:s22], $0x4000  }
0x28: {  	[sflag:s22] =	ssyncset.done $0x0  }
0x29: {  	[sflag:s22] =	ssyncadd.s32 $0xFFFFC000  }
0x2a: {  	[spmem:s9] =	stream.linear.scatter [tilespmem:s21], [sflag:$0x3], $0x4000, $0x38;
	[tilespmem:$0x1C100] =	vst v63  }
0x2b: {  	_ =	swait.ge [sflag:s22], $0x4000  }
0x2c: {  	[sflag:s22] =	ssyncset.done $0x0  }
0x2d: {  	[sflag:s22] =	ssyncadd.s32 $0xFFFFC000  }
0x2e: {  	[bflag:$0x0] =	sbarrier.arrive $0xFFFF  }
0x2f: {  	[tilespmem:s3], [sflag:$0x4] =	stream.linear.gather [hbm4b:s17+s3], $0x80, $0x38;
	[tilespmem:$0x1C100] =	vst v63  }
0x30: {  	_ =	swait.ge [sflag:s23], $0x80  }
0x31: {  	p0 =	sgt.u32 s18, $0x4E1;
	[sflag:s23] =	ssyncset.done $0x0  }
0x32: {  	s25 =	sadd.s32 $0x0, s16;
	s26 =	simm.s32 @p0 $0x1;
	[sflag:s23] =	ssyncadd.s32 $0xFFFFFF80  }
0x33: {  	[tilespmem:s21], [sflag:$0x1] =	stream.linear.gather [hbm4b:s25+s3], $0x4000, $0x38;
	[tilespmem:$0x1C100] =	vst v63  }
0x34: {  	_ =	swait.ge @p0 [sflag:s26], $0x4000  }
0x35: {  	s28 =	simm.s32 @p0 $0x0;
	[sflag:s26] =	ssyncset.done @p0 $0x0  }
0x36: {  	s29 =	simm.s32 @p0 $0x80;
	s25 =	simm.s32 @!p0 $0x4080;
	[sflag:s26] =	ssyncadd.s32 @p0 $0xFFFFC000  }
0x37: {  	[spmem:s2] =	stream.indirect.scatter.add.f32 @p0 [tilespmem:s29], [sflag:$0x3], $0x80, s28, s29, $0xb8;
	[tilespmem:$0x1C100] =	vst v63  }
0x38: {  	s26 =	sadd.s32 @!p0 $0x200, s17;
	s28 =	simm.s32 @!p0 $0x0;
	s29 =	simm.s32 @!p0 $0x4  }
0x39: {  	[tilespmem:s25], [sflag:$0x4] =	stream.linear.gather @!p0 [hbm4b:s26+s28], $0x80, $0x38;
	[tilespmem:$0x1C100] =	vst v63  }
0x3a: {  	_ =	swait.ge @!p0 [sflag:s29], $0x80  }
0x3b: {  	s30 =	simm.s32 @!p0 $0x4100;
	s26 =	sadd.s32 @!p0 $0x0, s16;
	[sflag:s29] =	ssyncset.done @!p0 $0x0  }
0x3c: {  	s31 =	simm.s32 @!p0 $0x1;
	s26 =	sadd.s32 @!p0 $0x10000, s26;
	[sflag:s29] =	ssyncadd.s32 @!p0 $0xFFFFFF80  }
0x3d: {  	[tilespmem:s30], [sflag:$0x2] =	stream.linear.gather @!p0 [hbm4b:s26+s28], $0x4000, $0x38;
	[tilespmem:$0x1C100] =	vst v63  }
0x3e: {  	_ =	swait.ge @!p0 [sflag:s31], $0x4000  }
0x3f: {  	[sflag:s31] =	ssyncset.done @!p0 $0x0  }
0x40: {  	s26 =	simm.s32 @!p0 $0x80;
	[sflag:s31] =	ssyncadd.s32 @!p0 $0xFFFFC000  }
0x41: {  	[spmem:s2] =	stream.indirect.scatter.add.f32 @!p0 [tilespmem:s26], [sflag:$0x4], $0x80, s28, s26, $0xb8;
	[tilespmem:$0x1C100] =	vst v63  }
0x42: {  	_ =	swait.ge @!p0 [sflag:s29], $0x4000  }
0x43: {  	[sflag:s29] =	ssyncset.done @!p0 $0x0  }
0x44: {  	s28 =	simm.s32 @!p0 $0x2;
	[sflag:s29] =	ssyncadd.s32 @!p0 $0xFFFFC000  }
0x45: {  	_ =	swait.ge @!p0 [sflag:s28], $0x4000  }
0x46: {  	[sflag:s28] =	ssyncset.done @!p0 $0x0  }
0x47: {  	s29 =	simm.s32 @p0 $0x3;
	[sflag:s28] =	ssyncadd.s32 @!p0 $0xFFFFC000;
	s28 =	smov.u32 s17  }
0x48: {  	[spmem:s2] =	stream.indirect.scatter.add.f32 @!p0 [tilespmem:s30], [sflag:$0x4], $0x80, s25, s26, $0xb8;
	[tilespmem:$0x1C100] =	vst v63  }
0x49: {  	s25 =	simm.s32 $0x20000;
	s26 =	sadd.s32 $0x40, s18;
	_ =	swait.ge [sflag:s29], $0x4000  }
.LBB2_2:
0x4a: {  	[sflag:s29] =	ssyncset.done $0x0  }
0x4b: {  	s28 =	sadd.s32 $0x400, s28;
	s30 =	smov.u32 s25;
	s25 =	sadd.s32 $0x20000, s25  }
0x4c: {  	p1 =	sne.s32 s25, $0x280000;
	[sflag:s29] =	ssyncadd.s32 $0xFFFFC000  }
0x4d: {  	[tilespmem:s3], [sflag:$0x4] =	stream.linear.gather [hbm4b:s28+s3], $0x80, $0x38;
	[tilespmem:$0x1C100] =	vst v63  }
0x4e: {  	_ =	swait.ge [sflag:s23], $0x80  }
0x4f: {  	p2 =	sgt.u32 s26, $0x4E1;
	s29 =	sadd.s32 s30, s16;
	[sflag:s23] =	ssyncset.done $0x0  }
0x50: {  	s31 =	simm.s32 @p2 $0x1;
	s30 =	sadd.s32 @!p2 s30, s16;
	[sflag:s23] =	ssyncadd.s32 $0xFFFFFF80  }
0x51: {  	[tilespmem:s21], [sflag:$0x1] =	stream.linear.gather [hbm4b:s29+s3], $0x4000, $0x38;
	[tilespmem:$0x1C100] =	vst v63  }
0x52: {  	s0 =	simm.s32 @!p2 $0x4080;
	s30 =	sadd.s32 @!p2 $0x10000, s30;
	_ =	swait.ge @p2 [sflag:s31], $0x4000  }
0x53: {  	s1 =	simm.s32 @p2 $0x80;
	s29 =	simm.s32 @p2 $0x0;
	[sflag:s31] =	ssyncset.done @p2 $0x0  }
0x54: {  	s4 =	simm.s32 @!p2 $0x0;
	[sflag:s31] =	ssyncadd.s32 @p2 $0xFFFFC000;
	s31 =	sadd.s32 @!p2 $0x200, s28  }
0x55: {  	[spmem:s2] =	stream.indirect.scatter.add.f32 @p2 [tilespmem:s1], [sflag:$0x3], $0x80, s29, s1, $0xb8;
	[tilespmem:$0x1C100] =	vst v63  }
0x56: {  	s29 =	simm.s32 @!p2 $0x4  }
0x57: {  	[tilespmem:s0], [sflag:$0x4] =	stream.linear.gather @!p2 [hbm4b:s31+s4], $0x80, $0x38;
	[tilespmem:$0x1C100] =	vst v63  }
0x58: {  	_ =	swait.ge @!p2 [sflag:s29], $0x80  }
0x59: {  	s1 =	simm.s32 @!p2 $0x4100;
	[sflag:s29] =	ssyncset.done @!p2 $0x0  }
0x5a: {  	s31 =	simm.s32 @!p2 $0x1;
	[sflag:s29] =	ssyncadd.s32 @!p2 $0xFFFFFF80  }
0x5b: {  	[tilespmem:s1], [sflag:$0x2] =	stream.linear.gather @!p2 [hbm4b:s30+s4], $0x4000, $0x38;
	[tilespmem:$0x1C100] =	vst v63  }
0x5c: {  	_ =	swait.ge @!p2 [sflag:s31], $0x4000  }
0x5d: {  	s30 =	simm.s32 @!p2 $0x80;
	[sflag:s31] =	ssyncset.done @!p2 $0x0  }
0x5e: {  	[sflag:s31] =	ssyncadd.s32 @!p2 $0xFFFFC000  }
0x5f: {  	[spmem:s2] =	stream.indirect.scatter.add.f32 @!p2 [tilespmem:s30], [sflag:$0x4], $0x80, s4, s30, $0xb8;
	[tilespmem:$0x1C100] =	vst v63  }
0x60: {  	_ =	swait.ge @!p2 [sflag:s29], $0x4000  }
0x61: {  	s4 =	simm.s32 @!p2 $0x2;
	[sflag:s29] =	ssyncset.done @!p2 $0x0  }
0x62: {  	[sflag:s29] =	ssyncadd.s32 @!p2 $0xFFFFC000  }
.Ltmp0:
0x63: {  	_ =	swait.ge @!p2 [sflag:s4], $0x4000;
	(pc) =	sbr.rel @p1 .LBB2_2-.Ltmp0, $4  }
0x64: {  	[sflag:s4] =	ssyncset.done @!p2 $0x0  }
0x65: {  	s29 =	simm.s32 @p2 $0x3;
	[sflag:s4] =	ssyncadd.s32 @!p2 $0xFFFFC000  }
0x66: {  	[spmem:s2] =	stream.indirect.scatter.add.f32 @!p2 [tilespmem:s1], [sflag:$0x4], $0x80, s0, s30, $0xb8;
	[tilespmem:$0x1C100] =	vst v63  }
0x67: {  	s26 =	sadd.s32 $0x40, s26;
	_ =	swait.ge [sflag:s29], $0x4000  }
0x68: {  	[sflag:s29] =	ssyncset.done $0x0  }
0x69: {  	[sflag:s29] =	ssyncadd.s32 $0xFFFFC000  }
0x6a: {  	[tilespmem:s3], [sflag:$0x4] =	stream.linear.gather [hbm4b:s20+s3], $0x80, $0x38;
	[tilespmem:$0x1C100] =	vst v63  }
0x6b: {  	_ =	swait.ge [sflag:s23], $0x80  }
0x6c: {  	[sflag:s23] =	ssyncset.done $0x0  }
0x6d: {  	s0 =	sadd.s32 $0x0, s19;
	s1 =	simm.s32 @p0 $0x1;
	[sflag:s23] =	ssyncadd.s32 $0xFFFFFF80  }
0x6e: {  	[tilespmem:s21], [sflag:$0x1] =	stream.linear.gather [hbm4b:s0+s3], $0x4000, $0x38;
	[tilespmem:$0x1C100] =	vst v63  }
0x6f: {  	_ =	swait.ge @p0 [sflag:s1], $0x4000  }
0x70: {  	s4 =	simm.s32 @p0 $0x0;
	[sflag:s1] =	ssyncset.done @p0 $0x0  }
0x71: {  	s25 =	simm.s32 @p0 $0x80;
	s29 =	simm.s32 @!p0 $0x4;
	[sflag:s1] =	ssyncadd.s32 @p0 $0xFFFFC000  }
0x72: {  	[spmem:s2] =	stream.indirect.scatter.add.f32 @p0 [tilespmem:s25], [sflag:$0x3], $0x80, s4, s25, $0xb8;
	[tilespmem:$0x1C100] =	vst v63  }
0x73: {  	s0 =	simm.s32 @!p0 $0x4080;
	s1 =	sadd.s32 @!p0 $0x200, s20;
	s4 =	simm.s32 @!p0 $0x0  }
0x74: {  	[tilespmem:s0], [sflag:$0x4] =	stream.linear.gather @!p0 [hbm4b:s1+s4], $0x80, $0x38;
	[tilespmem:$0x1C100] =	vst v63  }
0x75: {  	_ =	swait.ge @!p0 [sflag:s29], $0x80  }
0x76: {  	s26 =	simm.s32 @!p0 $0x1;
	s1 =	sadd.s32 @!p0 $0x0, s19;
	[sflag:s29] =	ssyncset.done @!p0 $0x0  }
0x77: {  	s25 =	simm.s32 @!p0 $0x4100;
	s1 =	sadd.s32 @!p0 $0x10000, s1;
	[sflag:s29] =	ssyncadd.s32 @!p0 $0xFFFFFF80  }
0x78: {  	[tilespmem:s25], [sflag:$0x2] =	stream.linear.gather @!p0 [hbm4b:s1+s4], $0x4000, $0x38;
	[tilespmem:$0x1C100] =	vst v63  }
0x79: {  	_ =	swait.ge @!p0 [sflag:s26], $0x4000  }
0x7a: {  	[sflag:s26] =	ssyncset.done @!p0 $0x0  }
0x7b: {  	s1 =	simm.s32 @!p0 $0x80;
	[sflag:s26] =	ssyncadd.s32 @!p0 $0xFFFFC000  }
0x7c: {  	[spmem:s2] =	stream.indirect.scatter.add.f32 @!p0 [tilespmem:s1], [sflag:$0x4], $0x80, s4, s1, $0xb8;
	[tilespmem:$0x1C100] =	vst v63  }
0x7d: {  	_ =	swait.ge @!p0 [sflag:s29], $0x4000  }
0x7e: {  	[sflag:s29] =	ssyncset.done @!p0 $0x0  }
0x7f: {  	s4 =	simm.s32 @!p0 $0x2;
	[sflag:s29] =	ssyncadd.s32 @!p0 $0xFFFFC000  }
0x80: {  	_ =	swait.ge @!p0 [sflag:s4], $0x4000  }
0x81: {  	[sflag:s4] =	ssyncset.done @!p0 $0x0  }
0x82: {  	s28 =	smov.u32 s20;
	s29 =	simm.s32 @p0 $0x3;
	[sflag:s4] =	ssyncadd.s32 @!p0 $0xFFFFC000  }
0x83: {  	[spmem:s2] =	stream.indirect.scatter.add.f32 @!p0 [tilespmem:s25], [sflag:$0x4], $0x80, s0, s1, $0xb8;
	[tilespmem:$0x1C100] =	vst v63  }
0x84: {  	s26 =	sadd.s32 $0x40, s18;
	s25 =	simm.s32 $0x20000;
	_ =	swait.ge [sflag:s29], $0x4000  }
.LBB2_4:
0x85: {  	[sflag:s29] =	ssyncset.done $0x0  }
0x86: {  	s28 =	sadd.s32 $0x400, s28;
	s0 =	smov.u32 s25;
	s25 =	sadd.s32 $0x20000, s25  }
0x87: {  	p0 =	sne.s32 s25, $0x280000;
	[sflag:s29] =	ssyncadd.s32 $0xFFFFC000  }
0x88: {  	[tilespmem:s3], [sflag:$0x4] =	stream.linear.gather [hbm4b:s28+s3], $0x80, $0x38;
	[tilespmem:$0x1C100] =	vst v63  }
0x89: {  	_ =	swait.ge [sflag:s23], $0x80  }
0x8a: {  	p1 =	sgt.u32 s26, $0x4E1;
	s1 =	sadd.s32 s0, s19;
	[sflag:s23] =	ssyncset.done $0x0  }
0x8b: {  	s4 =	simm.s32 @p1 $0x1;
	s0 =	sadd.s32 @!p1 s0, s19;
	[sflag:s23] =	ssyncadd.s32 $0xFFFFFF80  }
0x8c: {  	[tilespmem:s21], [sflag:$0x1] =	stream.linear.gather [hbm4b:s1+s3], $0x4000, $0x38;
	[tilespmem:$0x1C100] =	vst v63  }
0x8d: {  	s0 =	sadd.s32 @!p1 $0x10000, s0;
	s1 =	simm.s32 @!p1 $0x4080;
	_ =	swait.ge @p1 [sflag:s4], $0x4000  }
0x8e: {  	s29 =	simm.s32 @p1 $0x0;
	s30 =	simm.s32 @p1 $0x80;
	[sflag:s4] =	ssyncset.done @p1 $0x0  }
0x8f: {  	s31 =	simm.s32 @!p1 $0x0;
	[sflag:s4] =	ssyncadd.s32 @p1 $0xFFFFC000;
	s4 =	sadd.s32 @!p1 $0x200, s28  }
0x90: {  	[spmem:s2] =	stream.indirect.scatter.add.f32 @p1 [tilespmem:s30], [sflag:$0x3], $0x80, s29, s30, $0xb8;
	[tilespmem:$0x1C100] =	vst v63  }
0x91: {  	s29 =	simm.s32 @!p1 $0x4  }
0x92: {  	[tilespmem:s1], [sflag:$0x4] =	stream.linear.gather @!p1 [hbm4b:s4+s31], $0x80, $0x38;
	[tilespmem:$0x1C100] =	vst v63  }
0x93: {  	_ =	swait.ge @!p1 [sflag:s29], $0x80  }
0x94: {  	s4 =	simm.s32 @!p1 $0x4100;
	[sflag:s29] =	ssyncset.done @!p1 $0x0  }
0x95: {  	s30 =	simm.s32 @!p1 $0x1;
	[sflag:s29] =	ssyncadd.s32 @!p1 $0xFFFFFF80  }
0x96: {  	[tilespmem:s4], [sflag:$0x2] =	stream.linear.gather @!p1 [hbm4b:s0+s31], $0x4000, $0x38;
	[tilespmem:$0x1C100] =	vst v63  }
0x97: {  	_ =	swait.ge @!p1 [sflag:s30], $0x4000  }
0x98: {  	s0 =	simm.s32 @!p1 $0x80;
	[sflag:s30] =	ssyncset.done @!p1 $0x0  }
0x99: {  	[sflag:s30] =	ssyncadd.s32 @!p1 $0xFFFFC000  }
0x9a: {  	[spmem:s2] =	stream.indirect.scatter.add.f32 @!p1 [tilespmem:s0], [sflag:$0x4], $0x80, s31, s0, $0xb8;
	[tilespmem:$0x1C100] =	vst v63  }
0x9b: {  	_ =	swait.ge @!p1 [sflag:s29], $0x4000  }
0x9c: {  	s30 =	simm.s32 @!p1 $0x2;
	[sflag:s29] =	ssyncset.done @!p1 $0x0  }
0x9d: {  	[sflag:s29] =	ssyncadd.s32 @!p1 $0xFFFFC000  }
.Ltmp1:
0x9e: {  	_ =	swait.ge @!p1 [sflag:s30], $0x4000;
	(pc) =	sbr.rel @p0 .LBB2_4-.Ltmp1, $4  }
0x9f: {  	[sflag:s30] =	ssyncset.done @!p1 $0x0  }
0xa0: {  	s29 =	simm.s32 @p1 $0x3;
	[sflag:s30] =	ssyncadd.s32 @!p1 $0xFFFFC000  }
0xa1: {  	[spmem:s2] =	stream.indirect.scatter.add.f32 @!p1 [tilespmem:s4], [sflag:$0x4], $0x80, s1, s0, $0xb8;
	[tilespmem:$0x1C100] =	vst v63  }
0xa2: {  	s26 =	sadd.s32 $0x40, s26;
	_ =	swait.ge [sflag:s29], $0x4000  }
0xa3: {  	[sflag:s29] =	ssyncset.done $0x0  }
0xa4: {  	[sflag:s29] =	ssyncadd.s32 $0xFFFFC000  }
0xa5: {  	[bflag:$0x0] =	sbarrier.arrive $0xFFFF  }
0xa6: {  	[tilespmem:s21], [sflag:$0x3] =	stream.linear.gather [spmem:s5], $0x4000, $0x38;
	[tilespmem:$0x1C100] =	vst v63  }
0xa7: {  	_ =	swait.ge [sflag:s22], $0x4000  }
0xa8: {  	[sflag:s22] =	ssyncset.done $0x0  }
0xa9: {  	[sflag:s22] =	ssyncadd.s32 $0xFFFFC000  }
0xaa: {  	[hbm4b:s10+s3] =	stream.linear.scatter [tilespmem:s21], [sflag:$0x3], $0x4000, $0x38;
	[tilespmem:$0x1C100] =	vst v63  }
0xab: {  	_ =	swait.ge [sflag:s22], $0x4000  }
0xac: {  	[sflag:s22] =	ssyncset.done $0x0  }
0xad: {  	[sflag:s22] =	ssyncadd.s32 $0xFFFFC000  }
0xae: {  	[tilespmem:s21], [sflag:$0x3] =	stream.linear.gather [spmem:s6], $0x4000, $0x38;
	[tilespmem:$0x1C100] =	vst v63  }
0xaf: {  	_ =	swait.ge [sflag:s22], $0x4000  }
0xb0: {  	[sflag:s22] =	ssyncset.done $0x0  }
0xb1: {  	[sflag:s22] =	ssyncadd.s32 $0xFFFFC000  }
0xb2: {  	[hbm4b:s11+s3] =	stream.linear.scatter [tilespmem:s21], [sflag:$0x3], $0x4000, $0x38;
	[tilespmem:$0x1C100] =	vst v63  }
0xb3: {  	_ =	swait.ge [sflag:s22], $0x4000  }
0xb4: {  	[sflag:s22] =	ssyncset.done $0x0  }
0xb5: {  	[sflag:s22] =	ssyncadd.s32 $0xFFFFC000  }
0xb6: {  	[tilespmem:s21], [sflag:$0x3] =	stream.linear.gather [spmem:s7], $0x4000, $0x38;
	[tilespmem:$0x1C100] =	vst v63  }
0xb7: {  	_ =	swait.ge [sflag:s22], $0x4000  }
0xb8: {  	[sflag:s22] =	ssyncset.done $0x0  }
0xb9: {  	[sflag:s22] =	ssyncadd.s32 $0xFFFFC000  }
0xba: {  	[hbm4b:s12+s3] =	stream.linear.scatter [tilespmem:s21], [sflag:$0x3], $0x4000, $0x38;
	[tilespmem:$0x1C100] =	vst v63  }
0xbb: {  	_ =	swait.ge [sflag:s22], $0x4000  }
0xbc: {  	[sflag:s22] =	ssyncset.done $0x0  }
0xbd: {  	[sflag:s22] =	ssyncadd.s32 $0xFFFFC000  }
0xbe: {  	[tilespmem:s21], [sflag:$0x3] =	stream.linear.gather [spmem:s8], $0x4000, $0x38;
	[tilespmem:$0x1C100] =	vst v63  }
0xbf: {  	_ =	swait.ge [sflag:s22], $0x4000  }
0xc0: {  	[sflag:s22] =	ssyncset.done $0x0  }
0xc1: {  	[sflag:s22] =	ssyncadd.s32 $0xFFFFC000  }
0xc2: {  	[hbm4b:s13+s3] =	stream.linear.scatter [tilespmem:s21], [sflag:$0x3], $0x4000, $0x38;
	[tilespmem:$0x1C100] =	vst v63  }
0xc3: {  	_ =	swait.ge [sflag:s22], $0x4000  }
0xc4: {  	[sflag:s22] =	ssyncset.done $0x0  }
0xc5: {  	[sflag:s22] =	ssyncadd.s32 $0xFFFFC000  }
0xc6: {  	[tilespmem:s21], [sflag:$0x3] =	stream.linear.gather [spmem:s9], $0x4000, $0x38;
	[tilespmem:$0x1C100] =	vst v63  }
0xc7: {  	s24 =	sadd.s32 $0x1, s24;
	_ =	swait.ge [sflag:s22], $0x4000  }
0xc8: {  	p0 =	sne.s32 s24, s15;
	[sflag:s22] =	ssyncset.done $0x0  }
.Ltmp2:
0xc9: {  	[sflag:s22] =	ssyncadd.s32 $0xFFFFC000;
	(pc) =	sbr.rel @p0 .LBB2_1-.Ltmp2, $4  }
0xca: {  	[hbm4b:s14+s3] =	stream.linear.scatter [tilespmem:s21], [sflag:$0x3], $0x4000, $0x38;
	[tilespmem:$0x1C100] =	vst v63  }
0xcb: {  	_ =	swait.ge [sflag:s22], $0x4000  }
0xcc: {  	[sflag:s22] =	ssyncset.done $0x0  }
0xcd: {  	[sflag:s22] =	ssyncadd.s32 $0xFFFFC000  }
0xce: {  	_ =	sfence.sel $0x180000  }
0xcf: {  	[bflag:$0x0] =	sbarrier.arrive $0xFFFF  }
0xd0: {  	_ =	strace $0x9000004A  }
0xd1: {  	s0 =	stileid.u32;
	[bflag:$0x2] =	sbarrier.arrive $0xFFFF  }
0xd2: {  	p0 =	sne.s32 s0, $0x0;
	s0 =	rddreg [dreg:$0x4]  }
0xd3: {  	s0 =	sadd.s32 @!p0 $0x100000, s0  }
0xd4: {  	[sflag:s0] =	ssyncadd.tile.s32 @!p0 $0x1;
	_ =	shalt  }
.Lfunc_end2:
_tile_overlayer_lowered:
.L_overlay_start_2:
0xd5: {  	(tag) =	ssettag $0x2  }
0xd6: {  	s0 =	rddreg [dreg:$0x0];
	s2 =	stileid.u32  }
0xd7: {  	s1 =	rddreg [dreg:$0x1];
	p0 =	sne.s32 s2, $0x0  }
0xd8: {  	s3 =	rddreg [dreg:$0x2];
	[bflag:$0x3] =	sbarrier.arrive $0xFFFF;
	s2 =	simm.s32 @!p0 $0x1C03  }
0xd9: {  	[timem:s3], [sflag:s2] =	dma.local @!p0 [hbm:s0], s1  }
0xda: {  	s0 =	simm.s32 @!p0 $0x3  }
0xdb: {  	_ =	swait.ge @!p0 [sflag:s0], s1  }
0xdc: {  	s1 =	ssub.s32 @!p0 $0x0, s1;
	[sflag:s0] =	ssyncset.done @!p0 $0x0  }
0xdd: {  	[sflag:s0] =	ssyncadd.s32 @!p0 s1  }
0xde: {  	[bflag:$0x3] =	sbarrier.arrive $0xFFFF  }
0xdf: {  	_ =	shalt  }

</sc_bundles>
